<compile_context>
chip_gen: v7x
topology: tpu7x:2x2x1
jax: 0.10.2.dev20260603
libtpu: 0.0.44.dev20260713+nightly
codegen_flags: <defaults>
</compile_context>

<pallas_src>
import functools

import jax
import jax.numpy as jnp
from jax import lax
from jax.experimental import pallas as pl
from jax.experimental.pallas import tpu as pltpu
from jax.experimental.pallas import tpu_sc as plsc

_BS, _Q, _D, _C = 32, 900, 256, 1203
_CPAD = 1280
_QPAD = 1024
_TEMP = 0.07
_K = 300
_KP = 304
_CAP = 512
_CAP2 = 2048
_ROWW = _CPAD
_GW = 64



def _sim_body(emb_ref, txt_ref, s_ref, rmax_ref):
    x = emb_ref[0]
    n2 = jnp.sum(x * x, axis=-1, keepdims=True)
    norm = jnp.sqrt(n2)
    xn = x / jnp.maximum(norm, 1e-12)
    logits = jnp.dot(xn, txt_ref[...], preferred_element_type=jnp.float32)
    s = jax.nn.sigmoid(logits / _TEMP)
    col = lax.broadcasted_iota(jnp.int32, (_Q, _CPAD), 1)
    s = jnp.where(col < _C, s, -1.0)
    s_ref[0] = s
    rmax_ref[0] = jnp.max(s, axis=-1, keepdims=True)


def _sim_prob(pred_embed, txt_embT):
    return pl.pallas_call(
        _sim_body,
        grid=(_BS,),
        in_specs=[
            pl.BlockSpec((1, _Q, _D), lambda b: (b, 0, 0)),
            pl.BlockSpec((_D, _CPAD), lambda b: (0, 0)),
        ],
        out_specs=[
            pl.BlockSpec((1, _Q, _CPAD), lambda b: (b, 0, 0)),
            pl.BlockSpec((1, _Q, 1), lambda b: (b, 0, 0)),
        ],
        out_shape=[
            jax.ShapeDtypeStruct((_BS, _Q, _CPAD), jnp.float32),
            jax.ShapeDtypeStruct((_BS, _Q, 1), jnp.float32),
        ],
    )(pred_embed, txt_embT)



def _extract_body(s_hbm, rmax_hbm, val_hbm, idx_hbm, rmax_v, rowg_v, buf_v,
                  cval_v, cidx_v, dma_sem):
    nc = 2
    wid = lax.axis_index("s") * nc + lax.axis_index("c")
    lane = lax.iota(jnp.int32, 16)

    pltpu.sync_copy(rmax_hbm.at[pl.ds(wid * _QPAD, _QPAD)], rmax_v)

    def count_ge(mv):
        def cbody(i, acc):
            k = rmax_v[pl.ds(i * 16, 16)]
            return acc + plsc.all_reduce_population_count(k >= mv)
        return lax.fori_loop(0, _QPAD // 16, cbody,
                             jnp.zeros((16,), dtype=jnp.int32))

    def bbody(_, carry):
        lo, hi = carry
        mid = 0.5 * (lo + hi)
        ok = count_ge(mid) >= _K
        return (jnp.where(ok, mid, lo), jnp.where(ok, hi, mid))

    t0v, _ = lax.fori_loop(
        0, 64, bbody, (jnp.zeros((16,), jnp.float32),
                       jnp.ones((16,), jnp.float32)))

    gbase0 = jnp.full((16,), wid * _Q, dtype=jnp.int32)

    def ibody(i, _):
        cval_v[pl.ds(i * 16, 16)] = jnp.full((16,), -1.0, dtype=jnp.float32)
        cidx_v[pl.ds(i * 16, 16)] = jnp.zeros((16,), dtype=jnp.int32)
        return 0
    lax.fori_loop(0, _CAP2 // 16, ibody, 0)

    def ibody2(i, _):
        rowg_v[pl.ds(i * 16, 16)] = gbase0
        return 0
    lax.fori_loop(0, _QPAD // 16, ibody2, 0)

    def rscan(i, off_r):
        k = rmax_v[pl.ds(i * 16, 16)]
        m = k >= t0v
        rid = gbase0 + i * 16 + lane
        plsc.store_compressed(rowg_v.at[pl.ds(off_r, 16)], rid, mask=m)
        return off_r + plsc.all_reduce_population_count(m)[0]

    n_live = lax.fori_loop(0, _QPAD // 16, rscan, jnp.int32(0))

    def scan_window(w, off0):
        @pl.when(w * _GW < n_live)
        def _():
            pltpu.async_copy(
                s_hbm.at[rowg_v.at[pl.ds(w * _GW, _GW)]], buf_v, dma_sem,
            ).wait()

        def row_body(r, off_r):
            rr = w * _GW + r
            take = (rr < n_live) & (off_r <= _CAP2 - _ROWW)

            def do_row(off_in):
                grow = plsc.load_gather(
                    rowg_v, [jnp.full((16,), rr, jnp.int32)])
                gb = (grow - gbase0) * _C

                def vbody(v, off):
                    x = buf_v[r, pl.ds(v * 16, 16)]
                    m = x >= t0v
                    gidx = gb + v * 16 + lane
                    plsc.store_compressed(
                        cval_v.at[pl.ds(off, 16)], x, mask=m)
                    plsc.store_compressed(
                        cidx_v.at[pl.ds(off, 16)], gidx, mask=m)
                    return off + plsc.all_reduce_population_count(m)[0]

                return plsc.parallel_loop(
                    0, _ROWW // 16, unroll=8, carry=off_in)(vbody)

            return lax.cond(take, do_row, lambda o: o, off_r)

        return lax.fori_loop(0, _GW, row_body, off0)

    off = lax.fori_loop(0, _QPAD // _GW, scan_window, jnp.int32(0))
    del off

    pltpu.sync_copy(cval_v.at[pl.ds(0, _CAP)], val_hbm.at[pl.ds(wid * _CAP, _CAP)])
    pltpu.sync_copy(cidx_v.at[pl.ds(0, _CAP)], idx_hbm.at[pl.ds(wid * _CAP, _CAP)])


def _extract(s2d, rmax_flat):
    mesh = plsc.VectorSubcoreMesh(core_axis_name="c", subcore_axis_name="s")
    return pl.kernel(
        _extract_body,
        out_type=[
            jax.ShapeDtypeStruct((_BS * _CAP,), jnp.float32),
            jax.ShapeDtypeStruct((_BS * _CAP,), jnp.int32),
        ],
        mesh=mesh,
        compiler_params=pltpu.CompilerParams(needs_layout_passes=False),
        scratch_types=[
            pltpu.VMEM((_QPAD,), jnp.float32),
            pltpu.VMEM((_QPAD,), jnp.int32),
            pltpu.VMEM((_GW, _ROWW), jnp.float32),
            pltpu.VMEM((_CAP2,), jnp.float32),
            pltpu.VMEM((_CAP2,), jnp.int32),
            pltpu.SemaphoreType.DMA,
        ],
    )(s2d, rmax_flat)



def _select_body(cv_ref, ci_ref, cvS_ref, ciS_ref, box_ref, idx2f_ref, sf_ref,
                 scores_ref, labels_ref, boxes_ref):
    def batch_body(b, _):
        v_l = cv_ref[b]
        i_l = ci_ref[b]
        v_s = cvS_ref[b]
        i_s = ciS_ref[b]

        gt = ((v_l > v_s) | ((v_l == v_s) & (i_l < i_s))).astype(jnp.float32)
        rank_s = jnp.sum(gt, axis=1, keepdims=True)
        rank_l = (_CAP - 1.0) - jnp.sum(gt, axis=0, keepdims=True)

        pt = (rank_s.astype(jnp.int32)
              == lax.broadcasted_iota(jnp.int32, (_CAP, _KP), 1)
              ).astype(jnp.float32)
        pr = (rank_l.astype(jnp.int32)
              == lax.broadcasted_iota(jnp.int32, (_KP, _CAP), 0)
              ).astype(jnp.float32)

        x = jnp.concatenate([v_l, i_l.astype(jnp.float32)], axis=0)
        out = jnp.dot(x, pt, preferred_element_type=jnp.float32,
                      precision=lax.Precision.HIGHEST)
        scores_ref[b] = out[0:1, :]

        idx_i = out[1:2, :].astype(jnp.int32)
        q_i = idx_i // _C
        lab_i = idx_i - q_i * _C
        ohl = (lab_i == lax.broadcasted_iota(jnp.int32, (_CPAD, _KP), 0)
               ).astype(jnp.float32)
        lab_f = jnp.dot(idx2f_ref[...], ohl, preferred_element_type=jnp.float32,
                        precision=lax.Precision.HIGHEST)
        labels_ref[b] = lab_f[0:1, :].astype(jnp.int32)

        q_s = i_s // _C
        ohc = (q_s == lax.broadcasted_iota(jnp.int32, (_CAP, _Q), 1)
               ).astype(jnp.float32)
        qb = jnp.dot(ohc, box_ref[b], preferred_element_type=jnp.float32,
                     precision=lax.Precision.HIGHEST)
        gsel = jnp.dot(pr, qb, preferred_element_type=jnp.float32,
                       precision=lax.Precision.HIGHEST)

        cx = gsel[:, 0:1]
        cy = gsel[:, 1:2]
        w = gsel[:, 2:3]
        h = gsel[:, 3:4]
        s0 = sf_ref[b, 0]
        s1 = sf_ref[b, 1]
        s2 = sf_ref[b, 2]
        s3 = sf_ref[b, 3]
        boxes_ref[b] = jnp.concatenate(
            [(cx - 0.5 * w) * s0, (cy - 0.5 * h) * s1,
             (cx + 0.5 * w) * s2, (cy + 0.5 * h) * s3], axis=1)
        return 0

    lax.fori_loop(0, _BS, batch_body, 0)


def _select(cand_val, cand_idx, pred_boxes, idx2f, sf):
    cv3 = cand_val.reshape(_BS, 1, _CAP)
    ci3 = cand_idx.reshape(_BS, 1, _CAP)
    cvS = cand_val.reshape(_BS, _CAP, 1)
    ciS = cand_idx.reshape(_BS, _CAP, 1)
    return pl.pallas_call(
        _select_body,
        in_specs=[
            pl.BlockSpec((_BS, 1, _CAP), lambda: (0, 0, 0)),
            pl.BlockSpec((_BS, 1, _CAP), lambda: (0, 0, 0)),
            pl.BlockSpec((_BS, _CAP, 1), lambda: (0, 0, 0)),
            pl.BlockSpec((_BS, _CAP, 1), lambda: (0, 0, 0)),
            pl.BlockSpec((_BS, _Q, 4), lambda: (0, 0, 0)),
            pl.BlockSpec((1, _CPAD), lambda: (0, 0)),
            pl.BlockSpec((_BS, 4), lambda: (0, 0),
                         memory_space=pltpu.SMEM),
        ],
        out_specs=[
            pl.BlockSpec((_BS, 1, _KP), lambda: (0, 0, 0)),
            pl.BlockSpec((_BS, 1, _KP), lambda: (0, 0, 0)),
            pl.BlockSpec((_BS, _KP, 4), lambda: (0, 0, 0)),
        ],
        out_shape=[
            jax.ShapeDtypeStruct((_BS, 1, _KP), jnp.float32),
            jax.ShapeDtypeStruct((_BS, 1, _KP), jnp.int32),
            jax.ShapeDtypeStruct((_BS, _KP, 4), jnp.float32),
        ],
    )(cv3, ci3, cvS, ciS, pred_boxes, idx2f, sf)



def kernel(pred_embed, pred_boxes, target_sizes, txt_emb, idx2label):
    txt_embT = jnp.pad(txt_emb.T, ((0, 0), (0, _CPAD - _C)))
    s, rmax = _sim_prob(pred_embed, txt_embT)

    rmax_p = jnp.pad(rmax.reshape(_BS, _Q), ((0, 0), (0, _QPAD - _Q)),
                     constant_values=-1.0)
    cval, cidx = _extract(s.reshape(_BS * _Q, _CPAD), rmax_p.reshape(-1))
    cval = cval.reshape(_BS, _CAP)
    cidx = cidx.reshape(_BS, _CAP)

    ts = target_sizes.astype(jnp.float32)
    sf = jnp.stack([ts[:, 1], ts[:, 0], ts[:, 1], ts[:, 0]], axis=1)
    idx2f = jnp.pad(idx2label.astype(jnp.float32), (0, _CPAD - _C))[None, :]

    scores_p, labels_p, boxes_p = _select(
        cval, cidx, pred_boxes, idx2f, sf)
    return (scores_p[:, 0, :_K], labels_p[:, 0, :_K], boxes_p[:, :_K, :])

# --- scband reference (transcript-rebuilt; emitter-appended) ---
"""Pipeline reference for scband-post-process-sim-32779190403726 (READ-ONLY COPY).

The authoritative reference and input builder live on the scoring server;
editing this copy changes nothing except your own understanding.
"""

import jax, jax.numpy as jnp
import numpy as np

BS, Q, D, C = 32, 900, 256, 1203
NUM_SELECT = 300
TEMPERATURE = 0.07


def box_cxcywh_to_xyxy(x):
    cx = x[..., 0]
    cy = x[..., 1]
    w = x[..., 2]
    h = x[..., 3]
    return jnp.stack([cx - 0.5 * w, cy - 0.5 * h, cx + 0.5 * w, cy + 0.5 * h], axis=-1)


def setup_inputs(seed: int = 0) -> dict:
    key = jax.random.key(seed)
    k1, k2, k3, k4 = jax.random.split(key, 4)
    pred_embed = jax.random.normal(k1, (BS, Q, D), dtype=jnp.float32)
    pred_boxes = jax.random.uniform(k2, (BS, Q, 4), dtype=jnp.float32)
    target_sizes = jax.random.randint(k3, (BS, 2), 480, 1333)
    txt_emb = jax.random.normal(k4, (C, D), dtype=jnp.float32)
    txt_emb = txt_emb / jnp.maximum(jnp.linalg.norm(txt_emb, axis=-1, keepdims=True), 1e-12)
    idx2label = jnp.arange(C, dtype=jnp.int32)
    return {
        "pred_embed": pred_embed,
        "pred_boxes": pred_boxes,
        "target_sizes": target_sizes,
        "txt_emb": txt_emb,
        "idx2label": idx2label,
    }


def reference(pred_embed, pred_boxes, target_sizes, txt_emb, idx2label):
    bs, q, d = pred_embed.shape
    num_classes = txt_emb.shape[0]
    # F.normalize(dim=-1) on flattened (bs*q, d) embeddings
    out_emb = pred_embed.reshape(bs * q, d)
    norm = jnp.linalg.norm(out_emb, axis=-1, keepdims=True)
    out_emb = out_emb / jnp.maximum(norm, 1e-12)
    # similarity against text embeddings
    similarity_score = out_emb @ txt_emb.T
    sim_prob = jax.nn.sigmoid(similarity_score / TEMPERATURE).reshape(bs, q * num_classes)
    # joint top-k over (query, class) pairs
    topk_values, topk_indexes = jax.lax.top_k(sim_prob, NUM_SELECT)
    scores = topk_values
    topk_boxes = topk_indexes // num_classes
    labels = idx2label[topk_indexes % num_classes]
    # gather boxes and convert + rescale
    boxes = box_cxcywh_to_xyxy(pred_boxes)
    gather_idx = jnp.broadcast_to(topk_boxes[:, :, None], (bs, NUM_SELECT, 4))
    boxes = jnp.take_along_axis(boxes, gather_idx, axis=1)
    ts = target_sizes.astype(jnp.float32)
    img_h = ts[:, 0]
    img_w = ts[:, 1]
    scale_fct = jnp.stack([img_w, img_h, img_w, img_h], axis=1)
    boxes = boxes * scale_fct[:, None, :]
    return scores, labels, boxes

if __name__ == "__main__":
    import jax
    _d = setup_inputs()
    print(jax.jit(kernel)(*tuple(_d.values())))

</pallas_src>

<mosaic_0001>
#map = affine_map<(d0, d1) -> (0, 0)>
#map1 = affine_map<(d0, d1) -> (0)>
module attributes {stable_mosaic.version = 14 : i64} {
  func.func @_extract_body(%arg0: i32, %arg1: i32, %arg2: memref<28800x1280xf32, #tpu.memory_space<hbm>>, %arg3: memref<32768xf32, #tpu.memory_space<hbm>>, %arg4: memref<16384xf32, #tpu.memory_space<hbm>>, %arg5: memref<16384xi32, #tpu.memory_space<hbm>>, %arg6: memref<1024xf32, #tpu.memory_space<vmem>>, %arg7: memref<1024xi32, #tpu.memory_space<vmem>>, %arg8: memref<64x1280xf32, #tpu.memory_space<vmem>>, %arg9: memref<2048xf32, #tpu.memory_space<vmem>>, %arg10: memref<2048xi32, #tpu.memory_space<vmem>>, %arg11: memref<!tpu.dma_semaphore, #tpu.memory_space<semaphore_mem>>) attributes {dimension_semantics = [#tpu.dimension_semantics<core_parallel>, #tpu.dimension_semantics<subcore_parallel>], iteration_bounds = array<i64: 2, 16>, scalar_prefetch = 0 : i64, scratch_operands = 6 : i64, tpu.core_type = #tpu.core_type<sc_vector_subcore>, window_params = [{transform_indices = #map}, {transform_indices = #map1}, {transform_indices = #map1}, {transform_indices = #map1}]} {
    %mul3A = arith.constant 2 : i32
    %mul3A_0 = arith.muli %arg1, %mul3A : i32
    %add3A = arith.addi %mul3A_0, %arg0 : i32
    %iota3A = tpu.iota {dimensions = array<i32: 0>} : vector<16xi32>
    %mul3A_1 = arith.constant 1024 : i32
    %mul3A_2 = arith.muli %add3A, %mul3A_1 : i32
    "tpu.region"() ({
      %run_scoped3A = tpu.sem_alloc : memref<!tpu.dma_semaphore, #tpu.memory_space<semaphore_mem>>
      %dma_start3A = tpu.memref_slice %arg3[%mul3A_2] : memref<32768xf32, #tpu.memory_space<hbm>> -> memref<1024xf32, #tpu.memory_space<hbm>>
      %dma_start3A_46 = tpu.memref_slice %arg3[%mul3A_2] : memref<32768xf32, #tpu.memory_space<hbm>> -> memref<1024xf32, #tpu.memory_space<hbm>>
      tpu.enqueue_dma source(%dma_start3A_46 : memref<1024xf32, #tpu.memory_space<hbm>>) target(%arg6 : memref<1024xf32, #tpu.memory_space<vmem>>) target_semaphore(%run_scoped3A : memref<!tpu.dma_semaphore, #tpu.memory_space<semaphore_mem>>)
      %dma_wait3A = tpu.memref_slice %arg3[%mul3A_2] : memref<32768xf32, #tpu.memory_space<hbm>> -> memref<1024xf32, #tpu.memory_space<hbm>>
      %dma_wait3A_47 = tpu.memref_slice %arg3[%mul3A_2] : memref<32768xf32, #tpu.memory_space<hbm>> -> memref<1024xf32, #tpu.memory_space<hbm>>
      tpu.wait_dma2 semaphore(%run_scoped3A : memref<!tpu.dma_semaphore, #tpu.memory_space<semaphore_mem>>) src(%dma_wait3A_47 : memref<1024xf32, #tpu.memory_space<hbm>>) dst(%arg6 : memref<1024xf32, #tpu.memory_space<vmem>>)
      tpu.yield
    }) : () -> ()
    %broadcast_in_dim3A = arith.constant 0.000000e+00 : f32
    %broadcast_in_dim3A_3 = vector.broadcast %broadcast_in_dim3A : f32 to vector<16xf32>
    %broadcast_in_dim3A_4 = arith.constant 1.000000e+00 : f32
    %broadcast_in_dim3A_5 = vector.broadcast %broadcast_in_dim3A_4 : f32 to vector<16xf32>
    %scan3A = arith.constant 0 : i32
    %scan3A_6 = arith.constant 64 : i32
    %scan3A_7 = arith.addi %scan3A, %scan3A_6 : i32
    %scan3A_8 = arith.constant 1 : i32
    %scan3A_9:2 = scf.for %scan3A_46 = %scan3A to %scan3A_7 step %scan3A_8 iter_args(%scan3A_47 = %broadcast_in_dim3A_3, %scan3A_48 = %broadcast_in_dim3A_5) -> (vector<16xf32>, vector<16xf32>)  : i32 {
      %add3A_49 = arith.addf %scan3A_47, %scan3A_48 : vector<16xf32>
      %mul3A_50 = arith.constant 5.000000e-01 : f32
      %mul3A_51 = vector.broadcast %mul3A_50 : f32 to vector<16xf32>
      %mul3A_52 = arith.mulf %mul3A_51, %add3A_49 : vector<16xf32>
      %broadcast_in_dim3A_53 = arith.constant 0 : i32
      %broadcast_in_dim3A_54 = vector.broadcast %broadcast_in_dim3A_53 : i32 to vector<16xi32>
      %scan3A_55 = arith.constant 0 : i32
      %scan3A_56 = arith.constant 64 : i32
      %scan3A_57 = arith.addi %scan3A_55, %scan3A_56 : i32
      %scan3A_58 = arith.constant 1 : i32
      %scan3A_59 = scf.for %scan3A_64 = %scan3A_55 to %scan3A_57 step %scan3A_58 iter_args(%scan3A_65 = %broadcast_in_dim3A_54) -> (vector<16xi32>)  : i32 {
        %mul3A_66 = arith.constant 16 : i32
        %mul3A_67 = arith.muli %scan3A_64, %mul3A_66 : i32
        %get3A = arith.index_cast %mul3A_67 : i32 to index
        %get3A_68 = tpu.vector_load %arg6[%get3A] {strides = array<i32>} : memref<1024xf32, #tpu.memory_space<vmem>>, vector<16xf32>,
        %ge3A_69 = arith.cmpf oge, %get3A_68, %mul3A_52 : vector<16xf32>
        %all_reduce_population_count3A = tpu.all_reduce %ge3A_69 {dim = 0 : i64, kind = #tpu.reduction_kind<sum>} : vector<16xi1> -> vector<16xi32>
        %add3A_70 = arith.addi %scan3A_65, %all_reduce_population_count3A : vector<16xi32>
        scf.yield %add3A_70 : vector<16xi32>
      }
      %scan3A_60 = arith.constant 64 : i32
      %ge3A = arith.constant 300 : i32
      %ge3A_61 = vector.broadcast %ge3A : i32 to vector<16xi32>
      %ge3A_62 = arith.cmpi sge, %scan3A_59, %ge3A_61 : vector<16xi32>
      %select_n3A = arith.select %ge3A_62, %mul3A_52, %scan3A_47 : vector<16xi1>, vector<16xf32>
      %select_n3A_63 = arith.select %ge3A_62, %scan3A_48, %mul3A_52 : vector<16xi1>, vector<16xf32>
      scf.yield %select_n3A, %select_n3A_63 : vector<16xf32>, vector<16xf32>
    }
    %scan3A_10 = arith.constant 64 : i32
    %mul3A_11 = arith.constant 900 : i32
    %mul3A_12 = arith.muli %add3A, %mul3A_11 : i32
    %broadcast_in_dim3A_13 = vector.broadcast %mul3A_12 : i32 to vector<16xi32>
    %scan3A_14 = arith.constant 0 : i32
    %scan3A_15 = arith.constant 0 : i32
    %scan3A_16 = arith.constant 128 : i32
    %scan3A_17 = arith.addi %scan3A_15, %scan3A_16 : i32
    %scan3A_18 = arith.constant 1 : i32
    %scan3A_19 = scf.for %scan3A_46 = %scan3A_15 to %scan3A_17 step %scan3A_18 iter_args(%scan3A_47 = %scan3A_14) -> (i32)  : i32 {
      %broadcast_in_dim3A_48 = arith.constant -1.000000e+00 : f32
      %broadcast_in_dim3A_49 = vector.broadcast %broadcast_in_dim3A_48 : f32 to vector<16xf32>
      %mul3A_50 = arith.constant 16 : i32
      %mul3A_51 = arith.muli %scan3A_46, %mul3A_50 : i32
      %swap3A = arith.index_cast %mul3A_51 : i32 to index
      %swap3A_52 = tpu.vector_load %arg9[%swap3A] {strides = array<i32>} : memref<2048xf32, #tpu.memory_space<vmem>>, vector<16xf32>,
      tpu.vector_store %arg9[%swap3A], %broadcast_in_dim3A_49 {strides = array<i32>} : memref<2048xf32, #tpu.memory_space<vmem>>, vector<16xf32>,
      %broadcast_in_dim3A_53 = arith.constant 0 : i32
      %broadcast_in_dim3A_54 = vector.broadcast %broadcast_in_dim3A_53 : i32 to vector<16xi32>
      %mul3A_55 = arith.constant 16 : i32
      %mul3A_56 = arith.muli %scan3A_46, %mul3A_55 : i32
      %swap3A_57 = arith.index_cast %mul3A_56 : i32 to index
      %swap3A_58 = tpu.vector_load %arg10[%swap3A_57] {strides = array<i32>} : memref<2048xi32, #tpu.memory_space<vmem>>, vector<16xi32>,
      tpu.vector_store %arg10[%swap3A_57], %broadcast_in_dim3A_54 {strides = array<i32>} : memref<2048xi32, #tpu.memory_space<vmem>>, vector<16xi32>,
      %scan3A_59 = arith.constant 0 : i32
      scf.yield %scan3A_59 : i32
    }
    %scan3A_20 = arith.constant 128 : i32
    %scan3A_21 = arith.constant 0 : i32
    %scan3A_22 = arith.constant 0 : i32
    %scan3A_23 = arith.constant 64 : i32
    %scan3A_24 = arith.addi %scan3A_22, %scan3A_23 : i32
    %scan3A_25 = arith.constant 1 : i32
    %scan3A_26 = scf.for %scan3A_46 = %scan3A_22 to %scan3A_24 step %scan3A_25 iter_args(%scan3A_47 = %scan3A_21) -> (i32)  : i32 {
      %mul3A_48 = arith.constant 16 : i32
      %mul3A_49 = arith.muli %scan3A_46, %mul3A_48 : i32
      %swap3A = arith.index_cast %mul3A_49 : i32 to index
      %swap3A_50 = tpu.vector_load %arg7[%swap3A] {strides = array<i32>} : memref<1024xi32, #tpu.memory_space<vmem>>, vector<16xi32>,
      tpu.vector_store %arg7[%swap3A], %broadcast_in_dim3A_13 {strides = array<i32>} : memref<1024xi32, #tpu.memory_space<vmem>>, vector<16xi32>,
      %scan3A_51 = arith.constant 0 : i32
      scf.yield %scan3A_51 : i32
    }
    %scan3A_27 = arith.constant 64 : i32
    %scan3A_28 = arith.constant 0 : i32
    %scan3A_29 = arith.constant 0 : i32
    %scan3A_30 = arith.constant 64 : i32
    %scan3A_31 = arith.addi %scan3A_29, %scan3A_30 : i32
    %scan3A_32 = arith.constant 1 : i32
    %scan3A_33 = scf.for %scan3A_46 = %scan3A_29 to %scan3A_31 step %scan3A_32 iter_args(%scan3A_47 = %scan3A_28) -> (i32)  : i32 {
      %mul3A_48 = arith.constant 16 : i32
      %mul3A_49 = arith.muli %scan3A_46, %mul3A_48 : i32
      %get3A = arith.index_cast %mul3A_49 : i32 to index
      %get3A_50 = tpu.vector_load %arg6[%get3A] {strides = array<i32>} : memref<1024xf32, #tpu.memory_space<vmem>>, vector<16xf32>,
      %ge3A = arith.cmpf oge, %get3A_50, %scan3A_9#0 : vector<16xf32>
      %mul3A_51 = arith.constant 16 : i32
      %mul3A_52 = arith.muli %scan3A_46, %mul3A_51 : i32
      %add3A_53 = vector.broadcast %mul3A_52 : i32 to vector<16xi32>
      %add3A_54 = arith.addi %broadcast_in_dim3A_13, %add3A_53 : vector<16xi32>
      %add3A_55 = arith.addi %add3A_54, %iota3A : vector<16xi32>
      %swap3A = arith.index_cast %scan3A_47 : i32 to index
      %swap3A_56 = tpu.vector_load %arg7[%swap3A] masked %ge3A {strides = array<i32>} : memref<1024xi32, #tpu.memory_space<vmem>>, vector<16xi32>, vector<16xi1>
      tpu.vector_store %arg7[%swap3A], %add3A_55 masked %ge3A {strides = array<i32>} : memref<1024xi32, #tpu.memory_space<vmem>>, vector<16xi32>, vector<16xi1>
      %all_reduce_population_count3A = tpu.all_reduce %ge3A {dim = 0 : i64, kind = #tpu.reduction_kind<sum>} : vector<16xi1> -> vector<16xi32>
      %slice3A = vector.extract_strided_slice %all_reduce_population_count3A {offsets = [0], sizes = [1], strides = [1]} : vector<16xi32> to vector<1xi32>
      %squeeze3A = vector.extract %slice3A[0] : i32 from vector<1xi32>
      %add3A_57 = arith.addi %scan3A_47, %squeeze3A : i32
      scf.yield %add3A_57 : i32
    }
    %scan3A_34 = arith.constant 64 : i32
    %scan3A_35 = arith.constant 0 : i32
    %scan3A_36 = arith.constant 0 : i32
    %scan3A_37 = arith.constant 16 : i32
    %scan3A_38 = arith.addi %scan3A_36, %scan3A_37 : i32
    %scan3A_39 = arith.constant 1 : i32
    %scan3A_40 = scf.for %scan3A_46 = %scan3A_36 to %scan3A_38 step %scan3A_39 iter_args(%scan3A_47 = %scan3A_35) -> (i32)  : i32 {
      %mul3A_48 = arith.constant 64 : i32
      %mul3A_49 = arith.muli %scan3A_46, %mul3A_48 : i32
      %lt3A = arith.cmpi slt, %mul3A_49, %scan3A_33 : i32
      %convert_element_type3A = arith.extui %lt3A : i1 to i32
      %cond3A = arith.constant 0 : i32
      %cond3A_50 = arith.cmpi ne, %convert_element_type3A, %cond3A : i32
      scf.if %cond3A_50 {
        %mul3A_57 = arith.constant 64 : i32
        %mul3A_58 = arith.muli %scan3A_46, %mul3A_57 : i32
        %dma_start3A = tpu.memref_slice %arg7[%mul3A_58] : memref<1024xi32, #tpu.memory_space<vmem>> -> memref<64xi32, #tpu.memory_space<vmem>>
        %dma_start3A_59 = arith.constant 0 : i32
        %dma_start3A_60 = arith.constant 0 : i32
        %dma_start3A_61 = tpu.memref_slice %arg2[%dma_start3A_59, %dma_start3A_60] : memref<28800x1280xf32, #tpu.memory_space<hbm>> -> memref<28800x1280xf32, #tpu.memory_space<hbm>>
        tpu.enqueue_indirect_dma source(%dma_start3A_61 : memref<28800x1280xf32, #tpu.memory_space<hbm>>) target(%arg8 : memref<64x1280xf32, #tpu.memory_space<vmem>>) offsets(%dma_start3A : memref<64xi32, #tpu.memory_space<vmem>>) semaphore(%arg11 : memref<!tpu.dma_semaphore, #tpu.memory_space<semaphore_mem>>)
        %dma_wait3A = tpu.memref_slice %arg7[%mul3A_58] : memref<1024xi32, #tpu.memory_space<vmem>> -> memref<64xi32, #tpu.memory_space<vmem>>
        %dma_wait3A_62 = arith.constant 0 : i32
        %dma_wait3A_63 = arith.constant 0 : i32
        %dma_wait3A_64 = tpu.memref_slice %arg2[%dma_wait3A_62, %dma_wait3A_63] : memref<28800x1280xf32, #tpu.memory_space<hbm>> -> memref<28800x1280xf32, #tpu.memory_space<hbm>>
        tpu.wait_indirect_dma semaphore(%arg11 : memref<!tpu.dma_semaphore, #tpu.memory_space<semaphore_mem>>) src(%dma_wait3A_64 : memref<28800x1280xf32, #tpu.memory_space<hbm>>) dst(%arg8 : memref<64x1280xf32, #tpu.memory_space<vmem>>)
      } else {
      }
      %scan3A_51 = arith.constant 0 : i32
      %scan3A_52 = arith.constant 64 : i32
      %scan3A_53 = arith.addi %scan3A_51, %scan3A_52 : i32
      %scan3A_54 = arith.constant 1 : i32
      %scan3A_55 = scf.for %scan3A_57 = %scan3A_51 to %scan3A_53 step %scan3A_54 iter_args(%scan3A_58 = %scan3A_47) -> (i32)  : i32 {
        %mul3A_59 = arith.constant 64 : i32
        %mul3A_60 = arith.muli %scan3A_46, %mul3A_59 : i32
        %add3A_61 = arith.addi %mul3A_60, %scan3A_57 : i32
        %lt3A_62 = arith.cmpi slt, %add3A_61, %scan3A_33 : i32
        %le3A = arith.constant 768 : i32
        %le3A_63 = arith.cmpi sle, %scan3A_58, %le3A : i32
        %and3A = arith.andi %lt3A_62, %le3A_63 : i1
        %convert_element_type3A_64 = arith.extui %and3A : i1 to i32
        %cond3A_65 = arith.constant 0 : i32
        %cond3A_66 = arith.cmpi ne, %convert_element_type3A_64, %cond3A_65 : i32
        %cond3A_67 = scf.if %cond3A_66 -> (i32) {
          %broadcast_in_dim3A_68 = vector.broadcast %add3A_61 : i32 to vector<16xi32>
          %gather3A = tpu.vector_load_idx %arg7[%broadcast_in_dim3A_68] : memref<1024xi32, #tpu.memory_space<vmem>>[vector<16xi32>], vector<16xi32>,
          %sub3A = arith.subi %gather3A, %broadcast_in_dim3A_13 : vector<16xi32>
          %mul3A_69 = arith.constant 1203 : i32
          %mul3A_70 = vector.broadcast %mul3A_69 : i32 to vector<16xi32>
          %mul3A_71 = arith.muli %sub3A, %mul3A_70 : vector<16xi32>
          %parallel_loop3A = arith.constant 0 : i32
          %parallel_loop3A_72 = arith.constant 80 : i32
          %parallel_loop3A_73 = arith.constant 1 : i32
          %parallel_loop3A_74 = scf.for %parallel_loop3A_75 = %parallel_loop3A to %parallel_loop3A_72 step %parallel_loop3A_73 iter_args(%parallel_loop3A_76 = %scan3A_58) -> (i32)  : i32 {
            %parallel_loop3A_77 = arith.constant 16 : i32
            %parallel_loop3A_78 = arith.muli %parallel_loop3A_75, %parallel_loop3A_77 : i32
            %parallel_loop3A_79 = arith.index_cast %scan3A_57 : i32 to index
            %parallel_loop3A_80 = arith.index_cast %parallel_loop3A_78 : i32 to index
            %parallel_loop3A_81 = tpu.vector_load %arg8[%parallel_loop3A_79, %parallel_loop3A_80] {strides = array<i32>} : memref<64x1280xf32, #tpu.memory_space<vmem>>, vector<16xf32>,
            %parallel_loop3A_82 = arith.cmpf oge, %parallel_loop3A_81, %scan3A_9#0 : vector<16xf32>
            %parallel_loop3A_83 = arith.constant 16 : i32
            %parallel_loop3A_84 = arith.muli %parallel_loop3A_75, %parallel_loop3A_83 : i32
            %parallel_loop3A_85 = vector.broadcast %parallel_loop3A_84 : i32 to vector<16xi32>
            %parallel_loop3A_86 = arith.addi %mul3A_71, %parallel_loop3A_85 : vector<16xi32>
            %parallel_loop3A_87 = arith.addi %parallel_loop3A_86, %iota3A : vector<16xi32>
            %parallel_loop3A_88 = arith.index_cast %parallel_loop3A_76 : i32 to index
            %parallel_loop3A_89 = tpu.vector_load %arg9[%parallel_loop3A_88] masked %parallel_loop3A_82 {strides = array<i32>} : memref<2048xf32, #tpu.memory_space<vmem>>, vector<16xf32>, vector<16xi1>
            tpu.vector_store %arg9[%parallel_loop3A_88], %parallel_loop3A_81 masked %parallel_loop3A_82 {strides = array<i32>} : memref<2048xf32, #tpu.memory_space<vmem>>, vector<16xf32>, vector<16xi1>
            %parallel_loop3A_90 = arith.index_cast %parallel_loop3A_76 : i32 to index
            %parallel_loop3A_91 = tpu.vector_load %arg10[%parallel_loop3A_90] masked %parallel_loop3A_82 {strides = array<i32>} : memref<2048xi32, #tpu.memory_space<vmem>>, vector<16xi32>, vector<16xi1>
            tpu.vector_store %arg10[%parallel_loop3A_90], %parallel_loop3A_87 masked %parallel_loop3A_82 {strides = array<i32>} : memref<2048xi32, #tpu.memory_space<vmem>>, vector<16xi32>, vector<16xi1>
            %parallel_loop3A_92 = tpu.all_reduce %parallel_loop3A_82 {dim = 0 : i64, kind = #tpu.reduction_kind<sum>} : vector<16xi1> -> vector<16xi32>
            %parallel_loop3A_93 = vector.extract_strided_slice %parallel_loop3A_92 {offsets = [0], sizes = [1], strides = [1]} : vector<16xi32> to vector<1xi32>
            %parallel_loop3A_94 = vector.extract %parallel_loop3A_93[0] : i32 from vector<1xi32>
            %parallel_loop3A_95 = arith.addi %parallel_loop3A_76, %parallel_loop3A_94 : i32
            scf.yield %parallel_loop3A_95 : i32
          } {sc.loop_unroll_factor = 8 : i64, sc.parallel_access}
          scf.yield %parallel_loop3A_74 : i32
        } else {
          scf.yield %scan3A_58 : i32
        }
        scf.yield %cond3A_67 : i32
      }
      %scan3A_56 = arith.constant 64 : i32
      scf.yield %scan3A_55 : i32
    }
    %scan3A_41 = arith.constant 16 : i32
    %mul3A_42 = arith.constant 512 : i32
    %mul3A_43 = arith.muli %add3A, %mul3A_42 : i32
    "tpu.region"() ({
      %run_scoped3A = tpu.sem_alloc : memref<!tpu.dma_semaphore, #tpu.memory_space<semaphore_mem>>
      %dma_start3A = arith.constant 0 : i32
      %dma_start3A_46 = tpu.memref_slice %arg9[%dma_start3A] : memref<2048xf32, #tpu.memory_space<vmem>> -> memref<512xf32, #tpu.memory_space<vmem>>
      %dma_start3A_47 = tpu.memref_slice %arg4[%mul3A_43] : memref<16384xf32, #tpu.memory_space<hbm>> -> memref<512xf32, #tpu.memory_space<hbm>>
      %dma_start3A_48 = tpu.memref_slice %arg4[%mul3A_43] : memref<16384xf32, #tpu.memory_space<hbm>> -> memref<512xf32, #tpu.memory_space<hbm>>
      %dma_start3A_49 = arith.constant 0 : i32
      %dma_start3A_50 = tpu.memref_slice %arg9[%dma_start3A_49] : memref<2048xf32, #tpu.memory_space<vmem>> -> memref<512xf32, #tpu.memory_space<vmem>>
      tpu.enqueue_dma source(%dma_start3A_50 : memref<512xf32, #tpu.memory_space<vmem>>) target(%dma_start3A_48 : memref<512xf32, #tpu.memory_space<hbm>>) target_semaphore(%run_scoped3A : memref<!tpu.dma_semaphore, #tpu.memory_space<semaphore_mem>>)
      %dma_wait3A = arith.constant 0 : i32
      %dma_wait3A_51 = tpu.memref_slice %arg9[%dma_wait3A] : memref<2048xf32, #tpu.memory_space<vmem>> -> memref<512xf32, #tpu.memory_space<vmem>>
      %dma_wait3A_52 = tpu.memref_slice %arg4[%mul3A_43] : memref<16384xf32, #tpu.memory_space<hbm>> -> memref<512xf32, #tpu.memory_space<hbm>>
      %dma_wait3A_53 = tpu.memref_slice %arg4[%mul3A_43] : memref<16384xf32, #tpu.memory_space<hbm>> -> memref<512xf32, #tpu.memory_space<hbm>>
      %dma_wait3A_54 = arith.constant 0 : i32
      %dma_wait3A_55 = tpu.memref_slice %arg9[%dma_wait3A_54] : memref<2048xf32, #tpu.memory_space<vmem>> -> memref<512xf32, #tpu.memory_space<vmem>>
      tpu.wait_dma2 semaphore(%run_scoped3A : memref<!tpu.dma_semaphore, #tpu.memory_space<semaphore_mem>>) src(%dma_wait3A_55 : memref<512xf32, #tpu.memory_space<vmem>>) dst(%dma_wait3A_53 : memref<512xf32, #tpu.memory_space<hbm>>)
      tpu.yield
    }) : () -> ()
    %mul3A_44 = arith.constant 512 : i32
    %mul3A_45 = arith.muli %add3A, %mul3A_44 : i32
    "tpu.region"() ({
      %run_scoped3A = tpu.sem_alloc : memref<!tpu.dma_semaphore, #tpu.memory_space<semaphore_mem>>
      %dma_start3A = arith.constant 0 : i32
      %dma_start3A_46 = tpu.memref_slice %arg10[%dma_start3A] : memref<2048xi32, #tpu.memory_space<vmem>> -> memref<512xi32, #tpu.memory_space<vmem>>
      %dma_start3A_47 = tpu.memref_slice %arg5[%mul3A_45] : memref<16384xi32, #tpu.memory_space<hbm>> -> memref<512xi32, #tpu.memory_space<hbm>>
      %dma_start3A_48 = tpu.memref_slice %arg5[%mul3A_45] : memref<16384xi32, #tpu.memory_space<hbm>> -> memref<512xi32, #tpu.memory_space<hbm>>
      %dma_start3A_49 = arith.constant 0 : i32
      %dma_start3A_50 = tpu.memref_slice %arg10[%dma_start3A_49] : memref<2048xi32, #tpu.memory_space<vmem>> -> memref<512xi32, #tpu.memory_space<vmem>>
      tpu.enqueue_dma source(%dma_start3A_50 : memref<512xi32, #tpu.memory_space<vmem>>) target(%dma_start3A_48 : memref<512xi32, #tpu.memory_space<hbm>>) target_semaphore(%run_scoped3A : memref<!tpu.dma_semaphore, #tpu.memory_space<semaphore_mem>>)
      %dma_wait3A = arith.constant 0 : i32
      %dma_wait3A_51 = tpu.memref_slice %arg10[%dma_wait3A] : memref<2048xi32, #tpu.memory_space<vmem>> -> memref<512xi32, #tpu.memory_space<vmem>>
      %dma_wait3A_52 = tpu.memref_slice %arg5[%mul3A_45] : memref<16384xi32, #tpu.memory_space<hbm>> -> memref<512xi32, #tpu.memory_space<hbm>>
      %dma_wait3A_53 = tpu.memref_slice %arg5[%mul3A_45] : memref<16384xi32, #tpu.memory_space<hbm>> -> memref<512xi32, #tpu.memory_space<hbm>>
      %dma_wait3A_54 = arith.constant 0 : i32
      %dma_wait3A_55 = tpu.memref_slice %arg10[%dma_wait3A_54] : memref<2048xi32, #tpu.memory_space<vmem>> -> memref<512xi32, #tpu.memory_space<vmem>>
      tpu.wait_dma2 semaphore(%run_scoped3A : memref<!tpu.dma_semaphore, #tpu.memory_space<semaphore_mem>>) src(%dma_wait3A_55 : memref<512xi32, #tpu.memory_space<vmem>>) dst(%dma_wait3A_53 : memref<512xi32, #tpu.memory_space<hbm>>)
      tpu.yield
    }) : () -> ()
    return
  }
}

module attributes {stable_mosaic.version = 14 : i64} {
  func.func @_sim_body(%arg0: i32, %arg1: memref<1x900x256xf32, #tpu.memory_space<vmem>>, %arg2: memref<256x1280xf32, #tpu.memory_space<vmem>>, %arg3: memref<1x900x1280xf32, #tpu.memory_space<vmem>>, %arg4: memref<1x900x1xf32, #tpu.memory_space<vmem>>) attributes {dimension_semantics = [#tpu.dimension_semantics<arbitrary>], iteration_bounds = array<i64: 32>, scalar_prefetch = 0 : i64, scratch_operands = 0 : i64, tpu.core_type = #tpu.core_type<tc>, window_params = [{transform_indices = @transform_0, window_bounds = array<i64: 1, 900, 256>}, {pipeline_mode = #tpu.pipeline_mode<synchronous>, transform_indices = @transform_1, window_bounds = array<i64: 256, 1280>}, {transform_indices = @transform_2, window_bounds = array<i64: 1, 900, 1280>}, {transform_indices = @transform_3, window_bounds = array<i64: 1, 900, 1>}]} {
    %get3A = arith.constant 0 : index
    %get3A_0 = arith.constant 0 : index
    %get3A_1 = arith.constant 0 : index
    %get3A_2 = vector.load %arg1[%get3A, %get3A_0, %get3A_1] : memref<1x900x256xf32, #tpu.memory_space<vmem>>, vector<1x900x256xf32>
    %get3A_3 = vector.shape_cast %get3A_2 : vector<1x900x256xf32> to vector<900x256xf32>
    %mul3A = arith.mulf %get3A_3, %get3A_3 : vector<900x256xf32>
    %reduce_sum3A = arith.constant dense<0.000000e+00> : vector<900xf32>
    %reduce_sum3A_4 = vector.multi_reduction <add>, %mul3A, %reduce_sum3A [1] : vector<900x256xf32> to vector<900xf32>
    %broadcast_in_dim3A = vector.shape_cast %reduce_sum3A_4 : vector<900xf32> to vector<900x1xf32>
    %sqrt3A = math.sqrt %broadcast_in_dim3A : vector<900x1xf32>
    %max3A = arith.constant 9.99999996E-13 : f32
    %max3A_5 = vector.broadcast %max3A : f32 to vector<900x1xf32>
    %max3A_6 = arith.maximumf %sqrt3A, %max3A_5 : vector<900x1xf32>
    %div3A = vector.broadcast %max3A_6 : vector<900x1xf32> to vector<900x256xf32>
    %div3A_7 = arith.divf %get3A_3, %div3A : vector<900x256xf32>
    %get3A_8 = arith.constant 0 : index
    %get3A_9 = arith.constant 0 : index
    %get3A_10 = vector.load %arg2[%get3A_8, %get3A_9] : memref<256x1280xf32, #tpu.memory_space<vmem>>, vector<256x1280xf32>
    %dot_general3A = arith.constant dense<0.000000e+00> : vector<900x1280xf32>
    %dot_general3A_11 = tpu.matmul %div3A_7, %get3A_10, %dot_general3A {dimension_numbers = #tpu.dot_dimension_numbers<[1], [0], [0], [1], [0, 0, 1, 1], [], []>, transpose_lhs_hint = false} : vector<900x256xf32>, vector<256x1280xf32>, vector<900x1280xf32> -> vector<900x1280xf32>
    %div3A_12 = arith.constant 7.000000e-02 : f32
    %div3A_13 = vector.broadcast %div3A_12 : f32 to vector<900x1280xf32>
    %div3A_14 = arith.divf %dot_general3A_11, %div3A_13 : vector<900x1280xf32>
    %logistic3A = arith.negf %div3A_14 : vector<900x1280xf32>
    %logistic3A_15 = math.exp %logistic3A : vector<900x1280xf32>
    %logistic3A_16 = arith.constant 1.000000e+00 : f32
    %logistic3A_17 = vector.broadcast %logistic3A_16 : f32 to vector<900x1280xf32>
    %logistic3A_18 = arith.addf %logistic3A_17, %logistic3A_15 : vector<900x1280xf32>
    %logistic3A_19 = arith.divf %logistic3A_17, %logistic3A_18 : vector<900x1280xf32>
    %iota3A = tpu.iota {dimensions = array<i32: 1>} : vector<900x1280xi32>
    %lt3A = arith.constant 1203 : i32
    %lt3A_20 = vector.broadcast %lt3A : i32 to vector<900x1280xi32>
    %lt3A_21 = arith.cmpi slt, %iota3A, %lt3A_20 : vector<900x1280xi32>
    %jit3A = arith.constant -1.000000e+00 : f32
    %broadcast_in_dim3A_22 = vector.broadcast %jit3A : f32 to vector<900x1280xf32>
    %select_n3A = arith.select %lt3A_21, %logistic3A_19, %broadcast_in_dim3A_22 : vector<900x1280xi1>, vector<900x1280xf32>
    %swap3A = arith.constant 0 : index
    %swap3A_23 = arith.constant 0 : index
    %swap3A_24 = arith.constant 0 : index
    %swap3A_25 = vector.load %arg3[%swap3A, %swap3A_23, %swap3A_24] : memref<1x900x1280xf32, #tpu.memory_space<vmem>>, vector<1x900x1280xf32>
    %swap3A_26 = vector.shape_cast %swap3A_25 : vector<1x900x1280xf32> to vector<900x1280xf32>
    %swap3A_27 = vector.shape_cast %select_n3A : vector<900x1280xf32> to vector<1x900x1280xf32>
    tpu.vector_store %arg3[%swap3A, %swap3A_23, %swap3A_24], %swap3A_27 {strides = array<i32>} : memref<1x900x1280xf32, #tpu.memory_space<vmem>>, vector<1x900x1280xf32>,
    %reduce_max3A = arith.constant dense<0xFF800000> : vector<900xf32>
    %reduce_max3A_28 = vector.multi_reduction <maximumf>, %select_n3A, %reduce_max3A [1] : vector<900x1280xf32> to vector<900xf32>
    %broadcast_in_dim3A_29 = vector.shape_cast %reduce_max3A_28 : vector<900xf32> to vector<900x1xf32>
    %swap3A_30 = arith.constant 0 : index
    %swap3A_31 = arith.constant 0 : index
    %swap3A_32 = arith.constant 0 : index
    %swap3A_33 = vector.load %arg4[%swap3A_30, %swap3A_31, %swap3A_32] : memref<1x900x1xf32, #tpu.memory_space<vmem>>, vector<1x900x1xf32>
    %swap3A_34 = vector.shape_cast %swap3A_33 : vector<1x900x1xf32> to vector<900x1xf32>
    %swap3A_35 = vector.shape_cast %broadcast_in_dim3A_29 : vector<900x1xf32> to vector<1x900x1xf32>
    tpu.vector_store %arg4[%swap3A_30, %swap3A_31, %swap3A_32], %swap3A_35 {strides = array<i32>} : memref<1x900x1xf32, #tpu.memory_space<vmem>>, vector<1x900x1xf32>,
    return
  }
  func.func @transform_0(%arg0: i32) -> (i32, i32, i32) {
    %c0_i32 = arith.constant 0 : i32
    %c0_i32_0 = arith.constant 0 : i32
    %c0_i32_1 = arith.constant 0 : i32
    return %arg0, %c0_i32, %c0_i32_0 : i32, i32, i32
  }
  func.func @transform_1(%arg0: i32) -> (i32, i32) {
    %c0_i32 = arith.constant 0 : i32
    %c0_i32_0 = arith.constant 0 : i32
    %c0_i32_1 = arith.constant 0 : i32
    return %c0_i32, %c0_i32_0 : i32, i32
  }
  func.func @transform_2(%arg0: i32) -> (i32, i32, i32) {
    %c0_i32 = arith.constant 0 : i32
    %c0_i32_0 = arith.constant 0 : i32
    %c0_i32_1 = arith.constant 0 : i32
    return %arg0, %c0_i32, %c0_i32_0 : i32, i32, i32
  }
  func.func @transform_3(%arg0: i32) -> (i32, i32, i32) {
    %c0_i32 = arith.constant 0 : i32
    %c0_i32_0 = arith.constant 0 : i32
    %c0_i32_1 = arith.constant 0 : i32
    return %arg0, %c0_i32, %c0_i32_0 : i32, i32, i32
  }
}

module attributes {stable_mosaic.version = 14 : i64} {
  func.func @_select_body(%arg0: memref<32x1x512xf32, #tpu.memory_space<vmem>>, %arg1: memref<32x1x512xi32, #tpu.memory_space<vmem>>, %arg2: memref<32x512x1xf32, #tpu.memory_space<vmem>>, %arg3: memref<32x512x1xi32, #tpu.memory_space<vmem>>, %arg4: memref<32x900x4xf32, #tpu.memory_space<vmem>>, %arg5: memref<1x1280xf32, #tpu.memory_space<vmem>>, %arg6: memref<32x4xf32, #tpu.memory_space<smem>>, %arg7: memref<32x1x304xf32, #tpu.memory_space<vmem>>, %arg8: memref<32x1x304xi32, #tpu.memory_space<vmem>>, %arg9: memref<32x304x4xf32, #tpu.memory_space<vmem>>) attributes {dimension_semantics = [], scalar_prefetch = 0 : i64, scratch_operands = 0 : i64, tpu.core_type = #tpu.core_type<tc>} {
    %scan3A = arith.constant 0 : i32
    %scan3A_0 = arith.constant 32 : i32
    %scan3A_1 = arith.addi %scan3A, %scan3A_0 : i32
    %scan3A_2 = arith.constant 1 : i32
    scf.for %scan3A_4 = %scan3A to %scan3A_1 step %scan3A_2  : i32 {
      %get3A = arith.index_cast %scan3A_4 : i32 to index
      %get3A_5 = arith.constant 0 : index
      %get3A_6 = arith.constant 0 : index
      %get3A_7 = vector.load %arg0[%get3A, %get3A_5, %get3A_6] : memref<32x1x512xf32, #tpu.memory_space<vmem>>, vector<1x1x512xf32>
      %get3A_8 = vector.shape_cast %get3A_7 : vector<1x1x512xf32> to vector<1x512xf32>
      %get3A_9 = arith.index_cast %scan3A_4 : i32 to index
      %get3A_10 = arith.constant 0 : index
      %get3A_11 = arith.constant 0 : index
      %get3A_12 = vector.load %arg1[%get3A_9, %get3A_10, %get3A_11] : memref<32x1x512xi32, #tpu.memory_space<vmem>>, vector<1x1x512xi32>
      %get3A_13 = vector.shape_cast %get3A_12 : vector<1x1x512xi32> to vector<1x512xi32>
      %get3A_14 = arith.index_cast %scan3A_4 : i32 to index
      %get3A_15 = arith.constant 0 : index
      %get3A_16 = arith.constant 0 : index
      %get3A_17 = vector.load %arg2[%get3A_14, %get3A_15, %get3A_16] : memref<32x512x1xf32, #tpu.memory_space<vmem>>, vector<1x512x1xf32>
      %get3A_18 = vector.shape_cast %get3A_17 : vector<1x512x1xf32> to vector<512x1xf32>
      %get3A_19 = arith.index_cast %scan3A_4 : i32 to index
      %get3A_20 = arith.constant 0 : index
      %get3A_21 = arith.constant 0 : index
      %get3A_22 = vector.load %arg3[%get3A_19, %get3A_20, %get3A_21] : memref<32x512x1xi32, #tpu.memory_space<vmem>>, vector<1x512x1xi32>
      %get3A_23 = vector.shape_cast %get3A_22 : vector<1x512x1xi32> to vector<512x1xi32>
      %gt3A = vector.broadcast %get3A_8 : vector<1x512xf32> to vector<512x512xf32>
      %gt3A_24 = vector.broadcast %get3A_18 : vector<512x1xf32> to vector<512x512xf32>
      %gt3A_25 = arith.cmpf ogt, %gt3A, %gt3A_24 : vector<512x512xf32>
      %eq3A = vector.broadcast %get3A_8 : vector<1x512xf32> to vector<512x512xf32>
      %eq3A_26 = vector.broadcast %get3A_18 : vector<512x1xf32> to vector<512x512xf32>
      %eq3A_27 = arith.cmpf oeq, %eq3A, %eq3A_26 : vector<512x512xf32>
      %lt3A = vector.broadcast %get3A_13 : vector<1x512xi32> to vector<512x512xi32>
      %lt3A_28 = vector.broadcast %get3A_23 : vector<512x1xi32> to vector<512x512xi32>
      %lt3A_29 = arith.cmpi slt, %lt3A, %lt3A_28 : vector<512x512xi32>
      %and3A = arith.andi %eq3A_27, %lt3A_29 : vector<512x512xi1>
      %or3A = arith.ori %gt3A_25, %and3A : vector<512x512xi1>
      %convert_element_type3A = arith.extui %or3A : vector<512x512xi1> to vector<512x512xi32>
      %convert_element_type3A_30 = arith.sitofp %convert_element_type3A : vector<512x512xi32> to vector<512x512xf32>
      %reduce_sum3A = arith.constant dense<0.000000e+00> : vector<512xf32>
      %reduce_sum3A_31 = vector.multi_reduction <add>, %convert_element_type3A_30, %reduce_sum3A [1] : vector<512x512xf32> to vector<512xf32>
      %broadcast_in_dim3A = vector.shape_cast %reduce_sum3A_31 : vector<512xf32> to vector<512x1xf32>
      %reduce_sum3A_32 = arith.constant dense<0.000000e+00> : vector<512xf32>
      %reduce_sum3A_33 = vector.multi_reduction <add>, %convert_element_type3A_30, %reduce_sum3A_32 [0] : vector<512x512xf32> to vector<512xf32>
      %broadcast_in_dim3A_34 = vector.shape_cast %reduce_sum3A_33 : vector<512xf32> to vector<1x512xf32>
      %sub3A = arith.constant 5.110000e+02 : f32
      %sub3A_35 = vector.broadcast %sub3A : f32 to vector<1x512xf32>
      %sub3A_36 = arith.subf %sub3A_35, %broadcast_in_dim3A_34 : vector<1x512xf32>
      %convert_element_type3A_37 = arith.fptosi %broadcast_in_dim3A : vector<512x1xf32> to vector<512x1xi32>
      %iota3A = tpu.iota {dimensions = array<i32: 1>} : vector<512x304xi32>
      %eq3A_38 = vector.broadcast %convert_element_type3A_37 : vector<512x1xi32> to vector<512x304xi32>
      %eq3A_39 = arith.cmpi eq, %eq3A_38, %iota3A : vector<512x304xi32>
      %convert_element_type3A_40 = arith.extui %eq3A_39 : vector<512x304xi1> to vector<512x304xi32>
      %convert_element_type3A_41 = arith.sitofp %convert_element_type3A_40 : vector<512x304xi32> to vector<512x304xf32>
      %convert_element_type3A_42 = arith.fptosi %sub3A_36 : vector<1x512xf32> to vector<1x512xi32>
      %iota3A_43 = tpu.iota {dimensions = array<i32: 0>} : vector<304x512xi32>
      %eq3A_44 = vector.broadcast %convert_element_type3A_42 : vector<1x512xi32> to vector<304x512xi32>
      %eq3A_45 = arith.cmpi eq, %eq3A_44, %iota3A_43 : vector<304x512xi32>
      %convert_element_type3A_46 = arith.extui %eq3A_45 : vector<304x512xi1> to vector<304x512xi32>
      %convert_element_type3A_47 = arith.sitofp %convert_element_type3A_46 : vector<304x512xi32> to vector<304x512xf32>
      %convert_element_type3A_48 = arith.sitofp %get3A_13 : vector<1x512xi32> to vector<1x512xf32>
      %concatenate3A = tpu.concatenate %get3A_8, %convert_element_type3A_48 in 0 : vector<1x512xf32>, vector<1x512xf32> -> vector<2x512xf32>
      %dot_general3A = arith.constant dense<0.000000e+00> : vector<2x304xf32>
      %dot_general3A_49 = tpu.matmul %concatenate3A, %convert_element_type3A_41, %dot_general3A {dimension_numbers = #tpu.dot_dimension_numbers<[1], [0], [0], [1], [0, 0, 1, 1], [], []>, precision = #tpu.contract_precision<fp32>, transpose_lhs_hint = false} : vector<2x512xf32>, vector<512x304xf32>, vector<2x304xf32> -> vector<2x304xf32>
      %slice3A = vector.extract_strided_slice %dot_general3A_49 {offsets = [0, 0], sizes = [1, 304], strides = [1, 1]} : vector<2x304xf32> to vector<1x304xf32>
      %swap3A = arith.index_cast %scan3A_4 : i32 to index
      %swap3A_50 = arith.constant 0 : index
      %swap3A_51 = arith.constant 0 : index
      %swap3A_52 = vector.load %arg7[%swap3A, %swap3A_50, %swap3A_51] : memref<32x1x304xf32, #tpu.memory_space<vmem>>, vector<1x1x304xf32>
      %swap3A_53 = vector.shape_cast %swap3A_52 : vector<1x1x304xf32> to vector<1x304xf32>
      %swap3A_54 = vector.shape_cast %slice3A : vector<1x304xf32> to vector<1x1x304xf32>
      tpu.vector_store %arg7[%swap3A, %swap3A_50, %swap3A_51], %swap3A_54 {strides = array<i32>} : memref<32x1x304xf32, #tpu.memory_space<vmem>>, vector<1x1x304xf32>,
      %slice3A_55 = vector.extract_strided_slice %dot_general3A_49 {offsets = [1, 0], sizes = [1, 304], strides = [1, 1]} : vector<2x304xf32> to vector<1x304xf32>
      %convert_element_type3A_56 = arith.fptosi %slice3A_55 : vector<1x304xf32> to vector<1x304xi32>
      %jit3A = arith.constant 1203 : i32
      %div3A = vector.broadcast %jit3A : i32 to vector<1x304xi32>
      %div3A_57 = arith.divsi %convert_element_type3A_56, %div3A : vector<1x304xi32>
      %sign3A = arith.constant 0 : i32
      %sign3A_58 = vector.broadcast %sign3A : i32 to vector<1x304xi32>
      %sign3A_59 = arith.cmpi sgt, %convert_element_type3A_56, %sign3A_58 : vector<1x304xi32>
      %sign3A_60 = arith.extui %sign3A_59 : vector<1x304xi1> to vector<1x304xi32>
      %sign3A_61 = arith.constant 0 : i32
      %sign3A_62 = vector.broadcast %sign3A_61 : i32 to vector<1x304xi32>
      %sign3A_63 = arith.cmpi slt, %convert_element_type3A_56, %sign3A_62 : vector<1x304xi32>
      %sign3A_64 = arith.extui %sign3A_63 : vector<1x304xi1> to vector<1x304xi32>
      %sign3A_65 = arith.subi %sign3A_60, %sign3A_64 : vector<1x304xi32>
      %sign3A_66 = arith.constant 0 : i32
      %sign3A_67 = arith.cmpi sgt, %jit3A, %sign3A_66 : i32
      %sign3A_68 = arith.extui %sign3A_67 : i1 to i32
      %sign3A_69 = arith.constant 0 : i32
      %sign3A_70 = arith.cmpi slt, %jit3A, %sign3A_69 : i32
      %sign3A_71 = arith.extui %sign3A_70 : i1 to i32
      %sign3A_72 = arith.subi %sign3A_68, %sign3A_71 : i32
      %ne3A = vector.broadcast %sign3A_72 : i32 to vector<1x304xi32>
      %ne3A_73 = arith.cmpi ne, %sign3A_65, %ne3A : vector<1x304xi32>
      %rem3A = vector.broadcast %jit3A : i32 to vector<1x304xi32>
      %rem3A_74 = arith.remsi %convert_element_type3A_56, %rem3A : vector<1x304xi32>
      %ne3A_75 = arith.constant 0 : i32
      %ne3A_76 = vector.broadcast %ne3A_75 : i32 to vector<1x304xi32>
      %ne3A_77 = arith.cmpi ne, %rem3A_74, %ne3A_76 : vector<1x304xi32>
      %and3A_78 = arith.andi %ne3A_73, %ne3A_77 : vector<1x304xi1>
      %sub3A_79 = arith.constant 1 : i32
      %sub3A_80 = vector.broadcast %sub3A_79 : i32 to vector<1x304xi32>
      %sub3A_81 = arith.subi %div3A_57, %sub3A_80 : vector<1x304xi32>
      %select_n3A = arith.select %and3A_78, %sub3A_81, %div3A_57 : vector<1x304xi1>, vector<1x304xi32>
      %mul3A = arith.constant 1203 : i32
      %mul3A_82 = vector.broadcast %mul3A : i32 to vector<1x304xi32>
      %mul3A_83 = arith.muli %select_n3A, %mul3A_82 : vector<1x304xi32>
      %sub3A_84 = arith.subi %convert_element_type3A_56, %mul3A_83 : vector<1x304xi32>
      %iota3A_85 = tpu.iota {dimensions = array<i32: 0>} : vector<1280x304xi32>
      %eq3A_86 = vector.broadcast %sub3A_84 : vector<1x304xi32> to vector<1280x304xi32>
      %eq3A_87 = arith.cmpi eq, %eq3A_86, %iota3A_85 : vector<1280x304xi32>
      %convert_element_type3A_88 = arith.extui %eq3A_87 : vector<1280x304xi1> to vector<1280x304xi32>
      %convert_element_type3A_89 = arith.sitofp %convert_element_type3A_88 : vector<1280x304xi32> to vector<1280x304xf32>
      %get3A_90 = arith.constant 0 : index
      %get3A_91 = arith.constant 0 : index
      %get3A_92 = vector.load %arg5[%get3A_90, %get3A_91] : memref<1x1280xf32, #tpu.memory_space<vmem>>, vector<1x1280xf32>
      %dot_general3A_93 = arith.constant dense<0.000000e+00> : vector<1x304xf32>
      %dot_general3A_94 = tpu.matmul %get3A_92, %convert_element_type3A_89, %dot_general3A_93 {dimension_numbers = #tpu.dot_dimension_numbers<[1], [0], [0], [1], [0, 0, 1, 1], [], []>, precision = #tpu.contract_precision<fp32>, transpose_lhs_hint = false} : vector<1x1280xf32>, vector<1280x304xf32>, vector<1x304xf32> -> vector<1x304xf32>
      %convert_element_type3A_95 = arith.fptosi %dot_general3A_94 : vector<1x304xf32> to vector<1x304xi32>
      %swap3A_96 = arith.index_cast %scan3A_4 : i32 to index
      %swap3A_97 = arith.constant 0 : index
      %swap3A_98 = arith.constant 0 : index
      %swap3A_99 = vector.load %arg8[%swap3A_96, %swap3A_97, %swap3A_98] : memref<32x1x304xi32, #tpu.memory_space<vmem>>, vector<1x1x304xi32>
      %swap3A_100 = vector.shape_cast %swap3A_99 : vector<1x1x304xi32> to vector<1x304xi32>
      %swap3A_101 = vector.shape_cast %convert_element_type3A_95 : vector<1x304xi32> to vector<1x1x304xi32>
      tpu.vector_store %arg8[%swap3A_96, %swap3A_97, %swap3A_98], %swap3A_101 {strides = array<i32>} : memref<32x1x304xi32, #tpu.memory_space<vmem>>, vector<1x1x304xi32>,
      %jit3A_102 = arith.constant 1203 : i32
      %div3A_103 = vector.broadcast %jit3A_102 : i32 to vector<512x1xi32>
      %div3A_104 = arith.divsi %get3A_23, %div3A_103 : vector<512x1xi32>
      %sign3A_105 = arith.constant 0 : i32
      %sign3A_106 = vector.broadcast %sign3A_105 : i32 to vector<512x1xi32>
      %sign3A_107 = arith.cmpi sgt, %get3A_23, %sign3A_106 : vector<512x1xi32>
      %sign3A_108 = arith.extui %sign3A_107 : vector<512x1xi1> to vector<512x1xi32>
      %sign3A_109 = arith.constant 0 : i32
      %sign3A_110 = vector.broadcast %sign3A_109 : i32 to vector<512x1xi32>
      %sign3A_111 = arith.cmpi slt, %get3A_23, %sign3A_110 : vector<512x1xi32>
      %sign3A_112 = arith.extui %sign3A_111 : vector<512x1xi1> to vector<512x1xi32>
      %sign3A_113 = arith.subi %sign3A_108, %sign3A_112 : vector<512x1xi32>
      %sign3A_114 = arith.constant 0 : i32
      %sign3A_115 = arith.cmpi sgt, %jit3A_102, %sign3A_114 : i32
      %sign3A_116 = arith.extui %sign3A_115 : i1 to i32
      %sign3A_117 = arith.constant 0 : i32
      %sign3A_118 = arith.cmpi slt, %jit3A_102, %sign3A_117 : i32
      %sign3A_119 = arith.extui %sign3A_118 : i1 to i32
      %sign3A_120 = arith.subi %sign3A_116, %sign3A_119 : i32
      %ne3A_121 = vector.broadcast %sign3A_120 : i32 to vector<512x1xi32>
      %ne3A_122 = arith.cmpi ne, %sign3A_113, %ne3A_121 : vector<512x1xi32>
      %rem3A_123 = vector.broadcast %jit3A_102 : i32 to vector<512x1xi32>
      %rem3A_124 = arith.remsi %get3A_23, %rem3A_123 : vector<512x1xi32>
      %ne3A_125 = arith.constant 0 : i32
      %ne3A_126 = vector.broadcast %ne3A_125 : i32 to vector<512x1xi32>
      %ne3A_127 = arith.cmpi ne, %rem3A_124, %ne3A_126 : vector<512x1xi32>
      %and3A_128 = arith.andi %ne3A_122, %ne3A_127 : vector<512x1xi1>
      %sub3A_129 = arith.constant 1 : i32
      %sub3A_130 = vector.broadcast %sub3A_129 : i32 to vector<512x1xi32>
      %sub3A_131 = arith.subi %div3A_104, %sub3A_130 : vector<512x1xi32>
      %select_n3A_132 = arith.select %and3A_128, %sub3A_131, %div3A_104 : vector<512x1xi1>, vector<512x1xi32>
      %iota3A_133 = tpu.iota {dimensions = array<i32: 1>} : vector<512x900xi32>
      %eq3A_134 = vector.broadcast %select_n3A_132 : vector<512x1xi32> to vector<512x900xi32>
      %eq3A_135 = arith.cmpi eq, %eq3A_134, %iota3A_133 : vector<512x900xi32>
      %convert_element_type3A_136 = arith.extui %eq3A_135 : vector<512x900xi1> to vector<512x900xi32>
      %convert_element_type3A_137 = arith.sitofp %convert_element_type3A_136 : vector<512x900xi32> to vector<512x900xf32>
      %get3A_138 = arith.index_cast %scan3A_4 : i32 to index
      %get3A_139 = arith.constant 0 : index
      %get3A_140 = arith.constant 0 : index
      %get3A_141 = vector.load %arg4[%get3A_138, %get3A_139, %get3A_140] : memref<32x900x4xf32, #tpu.memory_space<vmem>>, vector<1x900x4xf32>
      %get3A_142 = vector.shape_cast %get3A_141 : vector<1x900x4xf32> to vector<900x4xf32>
      %dot_general3A_143 = arith.constant dense<0.000000e+00> : vector<512x4xf32>
      %dot_general3A_144 = tpu.matmul %convert_element_type3A_137, %get3A_142, %dot_general3A_143 {dimension_numbers = #tpu.dot_dimension_numbers<[1], [0], [0], [1], [0, 0, 1, 1], [], []>, precision = #tpu.contract_precision<fp32>, transpose_lhs_hint = false} : vector<512x900xf32>, vector<900x4xf32>, vector<512x4xf32> -> vector<512x4xf32>
      %dot_general3A_145 = arith.constant dense<0.000000e+00> : vector<304x4xf32>
      %dot_general3A_146 = tpu.matmul %convert_element_type3A_47, %dot_general3A_144, %dot_general3A_145 {dimension_numbers = #tpu.dot_dimension_numbers<[1], [0], [0], [1], [0, 0, 1, 1], [], []>, precision = #tpu.contract_precision<fp32>, transpose_lhs_hint = false} : vector<304x512xf32>, vector<512x4xf32>, vector<304x4xf32> -> vector<304x4xf32>
      %slice3A_147 = vector.extract_strided_slice %dot_general3A_146 {offsets = [0, 0], sizes = [304, 1], strides = [1, 1]} : vector<304x4xf32> to vector<304x1xf32>
      %slice3A_148 = vector.extract_strided_slice %dot_general3A_146 {offsets = [0, 1], sizes = [304, 1], strides = [1, 1]} : vector<304x4xf32> to vector<304x1xf32>
      %slice3A_149 = vector.extract_strided_slice %dot_general3A_146 {offsets = [0, 2], sizes = [304, 1], strides = [1, 1]} : vector<304x4xf32> to vector<304x1xf32>
      %slice3A_150 = vector.extract_strided_slice %dot_general3A_146 {offsets = [0, 3], sizes = [304, 1], strides = [1, 1]} : vector<304x4xf32> to vector<304x1xf32>
      %get3A_151 = arith.index_cast %scan3A_4 : i32 to index
      %get3A_152 = arith.constant 0 : index
      %get3A_153 = memref.load %arg6[%get3A_151, %get3A_152] : memref<32x4xf32, #tpu.memory_space<smem>>
      %get3A_154 = arith.index_cast %scan3A_4 : i32 to index
      %get3A_155 = arith.constant 1 : index
      %get3A_156 = memref.load %arg6[%get3A_154, %get3A_155] : memref<32x4xf32, #tpu.memory_space<smem>>
      %get3A_157 = arith.index_cast %scan3A_4 : i32 to index
      %get3A_158 = arith.constant 2 : index
      %get3A_159 = memref.load %arg6[%get3A_157, %get3A_158] : memref<32x4xf32, #tpu.memory_space<smem>>
      %get3A_160 = arith.index_cast %scan3A_4 : i32 to index
      %get3A_161 = arith.constant 3 : index
      %get3A_162 = memref.load %arg6[%get3A_160, %get3A_161] : memref<32x4xf32, #tpu.memory_space<smem>>
      %mul3A_163 = arith.constant 5.000000e-01 : f32
      %mul3A_164 = vector.broadcast %mul3A_163 : f32 to vector<304x1xf32>
      %mul3A_165 = arith.mulf %mul3A_164, %slice3A_149 : vector<304x1xf32>
      %sub3A_166 = arith.subf %slice3A_147, %mul3A_165 : vector<304x1xf32>
      %mul3A_167 = vector.broadcast %get3A_153 : f32 to vector<304x1xf32>
      %mul3A_168 = arith.mulf %sub3A_166, %mul3A_167 : vector<304x1xf32>
      %mul3A_169 = arith.constant 5.000000e-01 : f32
      %mul3A_170 = vector.broadcast %mul3A_169 : f32 to vector<304x1xf32>
      %mul3A_171 = arith.mulf %mul3A_170, %slice3A_150 : vector<304x1xf32>
      %sub3A_172 = arith.subf %slice3A_148, %mul3A_171 : vector<304x1xf32>
      %mul3A_173 = vector.broadcast %get3A_156 : f32 to vector<304x1xf32>
      %mul3A_174 = arith.mulf %sub3A_172, %mul3A_173 : vector<304x1xf32>
      %mul3A_175 = arith.constant 5.000000e-01 : f32
      %mul3A_176 = vector.broadcast %mul3A_175 : f32 to vector<304x1xf32>
      %mul3A_177 = arith.mulf %mul3A_176, %slice3A_149 : vector<304x1xf32>
      %add3A = arith.addf %slice3A_147, %mul3A_177 : vector<304x1xf32>
      %mul3A_178 = vector.broadcast %get3A_159 : f32 to vector<304x1xf32>
      %mul3A_179 = arith.mulf %add3A, %mul3A_178 : vector<304x1xf32>
      %mul3A_180 = arith.constant 5.000000e-01 : f32
      %mul3A_181 = vector.broadcast %mul3A_180 : f32 to vector<304x1xf32>
      %mul3A_182 = arith.mulf %mul3A_181, %slice3A_150 : vector<304x1xf32>
      %add3A_183 = arith.addf %slice3A_148, %mul3A_182 : vector<304x1xf32>
      %mul3A_184 = vector.broadcast %get3A_162 : f32 to vector<304x1xf32>
      %mul3A_185 = arith.mulf %add3A_183, %mul3A_184 : vector<304x1xf32>
      %concatenate3A_186 = tpu.concatenate %mul3A_168, %mul3A_174, %mul3A_179, %mul3A_185 in 1 : vector<304x1xf32>, vector<304x1xf32>, vector<304x1xf32>, vector<304x1xf32> -> vector<304x4xf32>
      %swap3A_187 = arith.index_cast %scan3A_4 : i32 to index
      %swap3A_188 = arith.constant 0 : index
      %swap3A_189 = arith.constant 0 : index
      %swap3A_190 = vector.load %arg9[%swap3A_187, %swap3A_188, %swap3A_189] : memref<32x304x4xf32, #tpu.memory_space<vmem>>, vector<1x304x4xf32>
      %swap3A_191 = vector.shape_cast %swap3A_190 : vector<1x304x4xf32> to vector<304x4xf32>
      %swap3A_192 = vector.shape_cast %concatenate3A_186 : vector<304x4xf32> to vector<1x304x4xf32>
      tpu.vector_store %arg9[%swap3A_187, %swap3A_188, %swap3A_189], %swap3A_192 {strides = array<i32>} : memref<32x304x4xf32, #tpu.memory_space<vmem>>, vector<1x304x4xf32>,
    }
    %scan3A_3 = arith.constant 32 : i32
    return
  }
}

</mosaic_0001>

<sc_bundles>
// kernel: kernel.5.cloned.1.call-start
scs
__scs_entry_jumppad:
0x0: {  	(pc) =	sbr.rel $0x88, $3  }
0x1: {  	(tag) =	ssettag $0x0;
	lr =	simm.s32 $0x1  }
0x2: {  	[smem:$0x3F9C] =	sst lr;
	_ =	strace $0xD0000000  }
0x3: {  	_ = 	snop  }
0x4: {  	_ = 	snop  }
0x5: {  	_ = 	snop  }
0x6: {  	_ = 	snop  }
0x7: {  	_ = 	snop  }
__scs_overlays_trampoline_lowered:
0x8: {  	[smem:$0x3FAB] =	sst s0  }
0x9: {  	[smem:$0x3FAC] =	sst s1  }
0xa: {  	[smem:$0x3FAD] =	sst s2  }
0xb: {  	[smem:$0x3FAE] =	sst s3  }
0xc: {  	[smem:$0x3FAF] =	sst s4  }
0xd: {  	[smem:$0x3FB0] =	sst s5  }
0xe: {  	[smem:$0x3FB1] =	sst s6  }
0xf: {  	[smem:$0x3FB2] =	sst s7  }
0x10: {  	[smem:$0x3FB3] =	sst s8  }
0x11: {  	[smem:$0x3FB4] =	sst s9;
	s0 =	simm.s32 @!p0 $0x0  }
0x12: {  	s1 =	sld [smem:$0x3F9A];
	s0 =	simm.s32 @p0 $0x1  }
0x13: {  	[smem:$0x3FB5] =	sst s0;
	s0 =	simm.s32 @!p1 $0x0  }
0x14: {  	s2 =	sld [smem:$0x3F99];
	s0 =	simm.s32 @p1 $0x1  }
0x15: {  	[smem:$0x3FB6] =	sst s0;
	s0 =	simm.s32 @!p2 $0x0  }
0x16: {  	s3 =	sld [smem:$0x3FDB];
	s0 =	simm.s32 @p2 $0x1  }
0x17: {  	s4 =	simm.s32 $0x1BF5;
	[smem:$0x3FB8] =	sst s0  }
0x18: {  	s0 =	sld [smem:$0x3F9B];
	_ =	swait.ge [sflag:s4], $0x0  }
0x19: {  	s7 =	sld [smem:$0x3F9C]  }
0x1a: {  	s8 =	sadd.s32 $0xFFFFE003, lr  }
0x1b: {  	s9 =	sadd.s32 $0xFFFFFEF7, lr;
	s5 =	simm.s32 $0xFFFFFFFF;
	p2 =	slt.u32 s8, $0xFFFFF086  }
0x1c: {  	p1 =	slt.u32 s9, $0xF7A;
	s5 =	simm.s32 @!p2 $0x0  }
0x1d: {  	s5 =	simm.s32 @p1 $0x1;
	p0 =	seq.s32 s7, s2  }
0x1e: {  	s7 =	smul.u32 @!p0 $0xF7A, s2;
	p2 =	seq.s32 @!p0 s5, $0x0  }
0x1f: {  	s9 =	smul.u32 $0xF7A, s1;
	s8 =	simm.s32 @!p0 $0x1BF5;
	p2 =	por !p2, p0  }
0x20: {  	[sflag:s8] =	ssyncset.s32 @!p0 $0xFFFFF086;
	s6 =	sadd.s32 @!p0 s3, s7;
	s7 =	simm.s32 @!p0 $0x108  }
0x21: {  	s3 =	sadd.s32 s3, s9;
	s6 =	sadd.s32 @!p0 $0x88, s6;
	s7 =	simm.s32 @p2 $0x1082  }
0x22: {  	[simem:s7], [sflag:s8] =	dma.local @!p0 [hbm:s6], $0xF7A  }
0x23: {  	s9 =	sor.u32 $0xD0000000, s2;
	s6 =	simm.s32 $0x108;
	_ =	swait.ge @!p0 [sflag:s8], $0x0  }
0x24: {  	s3 =	sadd.s32 $0x88, s3;
	s6 =	simm.s32 @!p1 $0x1082;
	[sflag:s4] =	ssyncset.s32 $0xFFFFF086  }
0x25: {  	[simem:s6], [sflag:s4] =	dma.local [hbm:s3], $0xF7A  }
0x26: {  	[smem:$0x3F9C] =	sst s1;
	(tag) =	ssettag s2;
	_ =	strace s9  }
0x27: {  	s1 =	sld [smem:$0x3FAC]  }
0x28: {  	s2 =	sld [smem:$0x3FAD]  }
0x29: {  	s4 =	sld [smem:$0x3FAF]  }
0x2a: {  	p0 =	seq.s32 s5, $0x0;
	s5 =	sld [smem:$0x3FB0]  }
0x2b: {  	s6 =	sld [smem:$0x3FB1]  }
0x2c: {  	s7 =	sld [smem:$0x3FB2]  }
0x2d: {  	s3 =	simm.s32 $0x108;
	s8 =	sld [smem:$0x3FB3]  }
0x2e: {  	s3 =	simm.s32 @!p0 $0x1082;
	s9 =	sld [smem:$0x3FB4]  }
0x2f: {  	lr =	sadd.s32 s0, s3;
	s0 =	sld [smem:$0x3FAB]  }
0x30: {  	s3 =	sld [smem:$0x3FAE]  }
0x31: {  	[smem:$0x3FB7] =	sst s10  }
0x32: {  	s10 =	sld [smem:$0x3FB5];
	_ =	sdelay $0x3  }
0x33: {  	p0 =	seq.s32 s10, $0x1;
	s10 =	sld [smem:$0x3FB7];
	_ =	sdelay $0x3  }
0x34: {  	[smem:$0x3FB7] =	sst s10  }
0x35: {  	s10 =	sld [smem:$0x3FB6];
	_ =	sdelay $0x3  }
0x36: {  	p1 =	seq.s32 s10, $0x1;
	s10 =	sld [smem:$0x3FB7];
	_ =	sdelay $0x3  }
0x37: {  	[smem:$0x3FB7] =	sst s10  }
0x38: {  	s10 =	sld [smem:$0x3FB8]  }
0x39: {  	_ = 	snop;
	(pc) =	sbr.ind lr, $3  }
0x3a: {  	_ = 	snop  }
0x3b: {  	_ = 	snop  }
0x3c: {  	p2 =	seq.s32 s10, $0x1;
	s10 =	sld [smem:$0x3FB7]  }
0x3d: {  	_ =	shalt  }
0x3e: {  	_ =	shalt  }
0x3f: {  	_ =	shalt  }
0x40: {  	_ =	shalt  }
0x41: {  	_ =	shalt  }
0x42: {  	_ =	shalt  }
0x43: {  	_ =	shalt  }
0x44: {  	_ =	shalt  }
0x45: {  	_ =	shalt  }
0x46: {  	_ =	shalt  }
0x47: {  	_ =	shalt  }
0x48: {  	_ =	shalt  }
0x49: {  	_ =	shalt  }
0x4a: {  	_ =	shalt  }
0x4b: {  	_ =	shalt  }
0x4c: {  	_ =	shalt  }
0x4d: {  	_ =	shalt  }
0x4e: {  	_ =	shalt  }
0x4f: {  	_ =	shalt  }
0x50: {  	_ =	shalt  }
0x51: {  	_ =	shalt  }
0x52: {  	_ =	shalt  }
0x53: {  	_ =	shalt  }
0x54: {  	_ =	shalt  }
0x55: {  	_ =	shalt  }
0x56: {  	_ =	shalt  }
0x57: {  	_ =	shalt  }
0x58: {  	_ =	shalt  }
0x59: {  	_ =	shalt  }
0x5a: {  	_ =	shalt  }
0x5b: {  	_ =	shalt  }
0x5c: {  	_ =	shalt  }
0x5d: {  	_ =	shalt  }
0x5e: {  	_ =	shalt  }
0x5f: {  	_ =	shalt  }
0x60: {  	_ =	shalt  }
0x61: {  	_ =	shalt  }
0x62: {  	_ =	shalt  }
0x63: {  	_ =	shalt  }
0x64: {  	_ =	shalt  }
0x65: {  	_ =	shalt  }
0x66: {  	_ =	shalt  }
0x67: {  	_ =	shalt  }
0x68: {  	_ =	shalt  }
0x69: {  	_ =	shalt  }
0x6a: {  	_ =	shalt  }
0x6b: {  	_ =	shalt  }
0x6c: {  	_ =	shalt  }
0x6d: {  	_ =	shalt  }
0x6e: {  	_ =	shalt  }
0x6f: {  	_ =	shalt  }
0x70: {  	_ =	shalt  }
0x71: {  	_ =	shalt  }
0x72: {  	_ =	shalt  }
0x73: {  	_ =	shalt  }
0x74: {  	_ =	shalt  }
0x75: {  	_ =	shalt  }
0x76: {  	_ =	shalt  }
0x77: {  	_ =	shalt  }
0x78: {  	_ =	shalt  }
0x79: {  	_ =	shalt  }
0x7a: {  	_ =	shalt  }
0x7b: {  	_ =	shalt  }
0x7c: {  	_ =	shalt  }
0x7d: {  	_ =	shalt  }
0x7e: {  	_ =	shalt  }
0x7f: {  	_ =	shalt  }
0x80: {  	_ =	shalt  }
0x81: {  	_ =	shalt  }
0x82: {  	_ =	shalt  }
0x83: {  	_ =	shalt  }
0x84: {  	_ =	shalt  }
0x85: {  	_ =	shalt  }
0x86: {  	_ =	shalt  }
0x87: {  	_ =	shalt  }
.Lfunc_end0:
.L_simem_size_0:
called_computation_lowered:
.L_overlay_start_0:
0x88: {  	s2 =	sld [smem:$0x3FD9]  }
0x89: {  	s3 =	sld [smem:$0x3FFE];
	_ =	sdelay $0x1  }
0x8a: {  	s1 =	srdreg.scid  }
0x8b: {  	s0 =	sand.u32 $0x1, s1  }
0x8c: {  	s14 =	sshll.u32 s0, $0xA;
	s2 =	sadd.s32 s3, s2  }
0x8d: {  	s2 =	sadd.s32 s2, s14  }
0x8e: {  	[smem:$0x3FC3] =	sst s2  }
0x8f: {  	_ = 	snop  }
0x90: {  	s2 =	sld [smem:$0x3FD0];
	_ =	sdelay $0x2  }
0x91: {  	s15 =	simm.s32 $0xA;
	s4 =	simm.s32 $0x10  }
0x92: {  	[smem:s4], [sflag:s15] =	dma.local [hbm:s2], $0x1  }
0x93: {  	_ =	swait.eq [sflag:s15], $0x1  }
0x94: {  	[sflag:s15] =	ssyncset.done $0x0  }
0x95: {  	[sflag:s15] =	ssyncadd.s32 $0xFFFFFFFF  }
0x96: {  	s16 =	sld [smem:$0x12];
	(tm) =	ssettm $0x1  }
0x97: {  	s17 =	sld [smem:$0x3FFB];
	_ =	sdelay $0x3  }
0x98: {  	_ =	strace s17  }
0x99: {  	s3 =	sld [smem:$0x3FFC];
	_ =	sdelay $0x3  }
0x9a: {  	_ =	strace s3  }
0x9b: {  	s3 =	sld [smem:$0x3FFD];
	_ =	sdelay $0x3  }
0x9c: {  	_ =	strace s3  }
0x9d: {  	_ =	strace $0x8FFFFFFF  }
0x9e: {  	s18 =	sld [smem:$0x3FDB];
	_ =	sdelay $0x1  }
0x9f: {  	s19 =	simm.s32 $_scs_section_size  }
0xa0: {  	s5 =	simm.s32 $_size__tile_overlayer_lowered;
	s6 =	simm.s32 $_tile_overlayer_lowered  }
0xa1: {  	s22 =	simm.s32 $0x1BFF;
	s21 =	sshll.u32 s6, $0x1;
	s3 =	sadd.s32 s19, s18  }
0xa2: {  	s7 =	simm.s32 $0x0;
	s20 =	sshll.u32 s5, $0x1;
	s5 =	sadd.s32 s21, s3  }
0xa3: {  	[timem:s7], [sflag:s22] =	dma.local [hbm:s5], s20  }
0xa4: {  	_ =	swait.ge [sflag:s22], s20  }
0xa5: {  	s4 =	ssub.s32 $0x0, s20;
	[sflag:s22] =	ssyncset.done $0x0  }
0xa6: {  	[sflag:s22] =	ssyncadd.s32 s4;
	_ =	sdelay $0x1  }
0xa7: {  	s23 =	simm.s32 $0x1B8B  }
0xa8: {  	_ =	swait.ge [sflag:s23], $0x1  }
0xa9: {  	[sflag:s23] =	ssyncset.done $0x0  }
0xaa: {  	s25 =	simm.s32 $0x1B8E;
	s24 =	sld [smem:$0x3FFE];
	[sflag:s23] =	ssyncadd.s32 $0xFFFFFFFF  }
0xab: {  	s26 =	simm.s32 $execute0_lowered;
	[smem:$0x3FD2] =	sst s25  }
0xac: {  	s5 =	sshll.u32 s26, $0x1;
	_ =	strace $0x80000046;
	[dreg:$0x1] =	wrdreg $0xFFFFFFFF  }
0xad: {  	s28 =	simm.s32 $_size_execute0_lowered;
	s3 =	sadd.s32 s3, s5;
	[dreg:$0x0] =	wrdreg $0x0  }
0xae: {  	s5 =	sshll.u32 s28, $0x1;
	[dreg:$0x2] =	wrdreg s3  }
0xaf: {  	[dreg:$0x3] =	wrdreg s5  }
0xb0: {  	[dreg:$0x4] =	wrdreg $0xC0  }
0xb1: {  	_ =	task [dreg:s7], $0x5FFFF  }
0xb2: {  	[dreg:$0x1] =	wrdreg $0xFFFFFFFF  }
0xb3: {  	[dreg:$0x0] =	wrdreg $0x60  }
0xb4: {  	[dreg:$0x2] =	wrdreg s24  }
0xb5: {  	[dreg:$0x3] =	wrdreg s16  }
0xb6: {  	[dreg:$0x4] =	wrdreg $0x9  }
0xb7: {  	_ =	task.clear_ibuf [dreg:s7], $0x5FFFF;
	_ =	strace $0x90000046  }
0xb8: {  	s29 =	simm.s32 $0x9;
	_ =	strace $0x80000048  }
0xb9: {  	_ =	swait.ge [sflag:s29], $0x1  }
0xba: {  	[sflag:s29] =	ssyncadd.s32 $0xFFFFFFFF  }
0xbb: {  	_ =	strace $0x90000048  }
0xbc: {  	_ =	sfence  }
0xbd: {  	s30 =	sld [smem:$0x0];
	_ =	sdelay $0x2  }
0xbe: {  	s31 =	sshll.u32 s1, $0xD;
	s1 =	sshrl.u32 s1, $0x2  }
0xbf: {  	s3 =	sand.u32 $0x4000, s31;
	s1 =	sadd.s32 s1, s30  }
0xc0: {  	s0 =	sor.u32 s3, s0;
	s1 =	sshll.u32 s1, $0x11  }
0xc1: {  	s0 =	sor.u32 s1, s0  }
0xc2: {  	s0 =	sadd.s32 $0x8F2B, s0  }
0xc3: {  	[sflag:s0] =	ssyncadd.remote.s32 $0x1  }
0xc4: {  	_ =	sfence.sel $0xFFFF  }
0xc5: {  	[dreg:$0x0] =	wrdreg $0xFFFFFFFF;
	(pc) =	sbr.abs _section_cstart, $3  }
0xc6: {  	[dreg:$0x1] =	wrdreg $0xFFFFFFFF  }
0xc7: {  	_ =	task.clear_ibuf [dreg:s7], $0x2FFFF;
	_ =	strace $0x9FFFFFFF  }
0xc8: {  	(tm) =	ssettm $0x7FFFFFFF  }
0xc9: {  	_ =	shalt  }
tec
execute0_lowered:
.L_overlay_start_1:
0x0: {  	(tag) =	ssettag $0x1  }
0x1: {  	s0 =	rddreg [dreg:$0x0]  }
0x2: {  	s1 =	rddreg [dreg:$0x1];
	s3 =	srdreg.scid  }
0x3: {  	s4 =	stileid.u32;
	s2 =	simm.s32 $0x0;
	s28 =	simm.s32 $0x13000  }
0x4: {  	s29 =	simm.s32 $0x13800;
	s30 =	simm.s32 $0x14000;
	s31 =	simm.s32 $0x1  }
0x5: {  	s3 =	sand.u32 $0x1, s3;
	s4 =	sshll.u32 s4, $0x1;
	[smem:$0x7FF] =	sst s2  }
0x6: {  	s7 =	sadd.s32 $0x54D900, s0;
	s9 =	sadd.s32 $0x54DA00, s0;
	s5 =	sor.u32 s3, s4  }
0x7: {  	_ =	strace $0x80000047;
	s6 =	ssub.s32 $0x2, s3;
	s3 =	sadd.s32 $0x54D600, s0  }
0x8: {  	s4 =	sshll.u32 s5, $0x6;
	s22 =	sshrl.u32 s6, $0x1;
	s23 =	sshll.u32 s5, $0x7  }
0x9: {  	s8 =	smul.u32 $0x384, s5;
	s5 =	simm.s32 $0x2;
	s10 =	sadd.s32 s4, s0  }
.Ltmp0:
0xa: {  	s11 =	ssub.s32 s6, s22;
	s1 =	sadd.s32 s1, s23;
	(pc) =	sbr.rel .LBB2_1-.Ltmp0, $4  }
0xb: {  	v1 =	vimm.f32 $-1.000000000e+00;
	v2 =	vlaneseq.u32;
	s4 =	sadd.s32 $0x54D700, s0;
	[dreg:$0x3] =	wrdreg s1;
	s24 =	sadd.s32 $0x1600, s10  }
0xc: {  	v3 =	vimm.s32 $0x0;
	vm0 =	vmmov $0xffff;
	v6 =	vimm.s32 $0x0;
	s6 =	sadd.s32 $0x54D800, s0;
	s25 =	sadd.s32 $0x1E00, s10;
	[dreg:$0x4] =	wrdreg s24  }
0xd: {  	v4 =	vand.u32 $0x7, v2;
	v5 =	vshrl.u32 v2, $0x3;
	v6 =	vsel vm0, $0xFFFFFFFF, v6;
	s0 =	simm.s32 $0x400;
	s26 =	smax.u32 s11, $0x1;
	[dreg:$0x5] =	wrdreg s25  }
0xe: {  	v5 =	vmul.u32 $0x8, v5;
	[tilespmem:$0x1FFF0] =	vst v6;
	v6 =	vor.u32 $0x8, v2;
	v0 =	vmov s8;
	s10 =	simm.s32 $0x0;
	[dreg:$0x6] =	wrdreg s26;
	s26 =	simm.s32 $0x12800  }
.LBB2_22:
0xf: {  	s1 =	rddreg [dreg:$0x4];
	s5 =	simm.s32 $0x14800  }
0x10: {  	[hbm4b:s1+s2] =	stream.linear.scatter [tilespmem:s5], [sflag:$0x2], $0x200, $0x38;
	[tilespmem:$0x15800] =	vst v63  }
0x11: {  	s5 =	simm.s32 $0x2  }
0x12: {  	_ =	swait.ge [sflag:s5], $0x200  }
0x13: {  	[sflag:s5] =	ssyncset.done $0x0  }
0x14: {  	s10 =	simm.s32 $0x15000;
	s23 =	rddreg [dreg:$0x5];
	[sflag:s5] =	ssyncadd.s32 $0xFFFFFE00  }
0x15: {  	[hbm4b:s23+s2] =	stream.linear.scatter [tilespmem:s10], [sflag:$0x2], $0x200, $0x38;
	[tilespmem:$0x15800] =	vst v63  }
0x16: {  	_ =	swait.ge [sflag:s5], $0x200  }
0x17: {  	s24 =	rddreg [dreg:$0x7]  }
0x18: {  	s25 =	rddreg [dreg:$0x6];
	s10 =	sadd.s32 $0x1, s24  }
0x19: {  	p0 =	sne.s32 s10, s25  }
.Ltmp1:
0x1a: {  	_ = 	snop;
	(pc) =	sbr.rel @!p0 .LBB2_23-.Ltmp1, $3  }
0x1b: {  	_ =	sdelay $0x1  }
0x1c: {  	[sflag:s5] =	ssyncset.done $0x0  }
0x1d: {  	[sflag:s5] =	ssyncadd.s32 $0xFFFFFE00  }
.LBB2_1:
0x1e: {  	[dreg:$0x7] =	wrdreg s10  }
0x1f: {  	s1 =	rddreg [dreg:$0x3]  }
0x20: {  	[tilespmem:s2], [sflag:$0x2] =	stream.linear.gather [hbm4b:s1+s2], $0x400, $0x38;
	[tilespmem:$0x15800] =	vst v63  }
0x21: {  	_ =	swait.ge [sflag:s5], $0x400  }
0x22: {  	[sflag:s5] =	ssyncset.done $0x0  }
0x23: {  	v7 =	vimm.f32 $0.0e+00;
	v8 =	vimm.f32 $1.000000000e+00;
	s1 =	simm.s32 $0x0;
	[sflag:s5] =	ssyncadd.s32 $0xFFFFFC00  }
.LBB2_2:
0x24: {  	v9 =	vadd.f32 v8, v7  }
0x25: {  	s10 =	simm.s32 $0x0  }
0x26: {  	v10 =	vimm.s32 $0x0;
	s5 =	simm.s32 $0x40;
	v11 =	vld [tilespmem:s10+$0x0];
	v9 =	vmul.f32 $5.000000000e-01, v9  }
.LBB2_3:
0x27: {  	_ =	sdelay $0x1  }
0x28: {  	p0 =	sne.s32 s5, $0xFC0  }
.Ltmp2:
0x29: {  	_ = 	snop;
	(pc) =	sbr.rel @p0 .LBB2_3-.Ltmp2, $4  }
0x2a: {  	vm0 =	vge.f32 v11, v9  }
0x2b: {  	v12 =	vmpcnt.ones.xlane vm0  }
0x2c: {  	s10 =	sshra.s32 s5, $0x2  }
0x2d: {  	s5 =	sadd.s32 $0x40, s5;
	v11 =	vld [tilespmem:s10+$0x0];
	v10 =	vadd.s32 v10, v12  }
0x2e: {  	_ =	sdelay $0x2  }
0x2f: {  	s1 =	sadd.s32 $0x1, s1  }
0x30: {  	p0 =	sne.s32 s1, $0x40;
	vm0 =	vge.f32 v11, v9  }
.Ltmp3:
0x31: {  	v11 =	vmpcnt.ones.xlane vm0;
	(pc) =	sbr.rel @p0 .LBB2_2-.Ltmp3, $4  }
0x32: {  	_ = 	snop  }
0x33: {  	v10 =	vadd.s32 v10, v11  }
0x34: {  	vm15 =	vgt.s32 v10, $0x12B  }
0x35: {  	v7 =	vsel vm15, v9, v7;
	v8 =	vsel vm15, v8, v9  }
0x36: {  	s1 =	simm.s32 $0x40;
	s5 =	simm.s32 $0x0  }
.LBB2_6:
0x37: {  	p0 =	sne.s32 s1, $0x1FC0;
	[tilespmem:s5+$0x14800] =	vst v1;
	s10 =	smov.u32 s1;
	s1 =	sadd.s32 $0x40, s1  }
.Ltmp4:
0x38: {  	[tilespmem:s5+$0x15000] =	vst v3;
	(pc) =	sbr.rel @p0 .LBB2_6-.Ltmp4, $2  }
0x39: {  	_ =	sdelay $0x2  }
0x3a: {  	s5 =	sshra.s32 s10, $0x2  }
0x3b: {  	[tilespmem:s5+$0x14800] =	vst v1  }
0x3c: {  	[tilespmem:s5+$0x15000] =	vst v3;
	s1 =	simm.s32 $0x40;
	s5 =	simm.s32 $0x0  }
.LBB2_8:
0x3d: {  	p0 =	sne.s32 s1, $0xFC0;
	[tilespmem:s5+$0x400] =	vst v0;
	s5 =	smov.u32 s1;
	s1 =	sadd.s32 $0x40, s1  }
.Ltmp5:
0x3e: {  	(pc) =	sbr.rel @p0 .LBB2_8-.Ltmp5, $2  }
0x3f: {  	_ =	sdelay $0x2  }
0x40: {  	s5 =	sshra.s32 s5, $0x2  }
0x41: {  	[tilespmem:s5+$0x400] =	vst v0;
	s13 =	simm.s32 $0x0  }
0x42: {  	v8 =	vld [tilespmem:s13+$0x0];
	_ =	sdelay $0x4  }
0x43: {  	vm0 =	vge.f32 v8, v7  }
0x44: {  	v8 =	vmpcnt.ones.xlane vm0;
	_ =	sdelay $0x1  }
0x45: {  	(v2sf) =	vpush v8, $0x0;
	_ =	sdelay $0x4  }
0x46: {  	s1 =	sadd.s32 $0x0, s8  }
0x47: {  	v9 =	vadd.s32 s1, v2  }
0x48: {  	s1 =	simm.s32 $0x10;
	[tilespmem:s13+$0x400] =	vst.msk vm0, v9  }
0x49: {  	s10 =	simm.s32 $0x20;
	s5 =	simm.s32 $0x0;
	s11 =	simm.s32 $0x10;
	v8 =	vld [tilespmem:s1+$0x0]  }
.LBB2_10:
0x4a: {  	p0 =	sne.s32 s10, $0x3F0;
	_ =	sdelay $0x3  }
0x4b: {  	vm0 =	vge.f32 v8, v7  }
0x4c: {  	v8 =	vmpcnt.ones.xlane vm0  }
0x4d: {  	s12 =	sadd.s32 s8, s1;
	s1 =	smov.u32 s10;
	s14 =	spop (v2sf)  }
0x4e: {  	v9 =	vadd.s32 s12, v2;
	(v2sf) =	vpush v8, $0x0;
	s5 =	sadd.s32 s5, s14  }
0x4f: {  	[tilespmem:s5+$0x400] =	vst.msk vm0, v9;
	_ =	sdelay $0x2  }
.Ltmp6:
0x50: {  	(pc) =	sbr.rel @p0 .LBB2_10-.Ltmp6, $3  }
0x51: {  	_ =	sdelay $0x1  }
0x52: {  	s11 =	sadd.s32 $0x10, s11  }
0x53: {  	s10 =	sadd.s32 $0x10, s10;
	v8 =	vld [tilespmem:s11+$0x0]  }
0x54: {  	_ =	sdelay $0x3  }
0x55: {  	vm0 =	vge.f32 v8, v7  }
0x56: {  	v8 =	vmpcnt.ones.xlane vm0;
	_ =	sdelay $0x1  }
0x57: {  	(v2sf) =	vpush v8, $0x0;
	_ =	sdelay $0xb  }
.Ltmp7:
0x58: {  	_ = 	snop;
	(pc) =	sbr.rel .LBB2_12-.Ltmp7, $4  }
0x59: {  	_ = 	snop  }
0x5a: {  	s1 =	sadd.s32 s8, s1;
	s10 =	spop (v2sf)  }
0x5b: {  	v8 =	vadd.s32 s1, v2;
	s24 =	sadd.s32 s5, s10;
	s25 =	spop (v2sf)  }
0x5c: {  	s5 =	simm.s32 $0x0;
	[tilespmem:s24+$0x400] =	vst.msk vm0, v8;
	s1 =	sadd.s32 s24, s25  }
.LBB2_21:
0x5d: {  	s5 =	sadd.s32 $0x1, s5  }
0x5e: {  	p0 =	sne.s32 s5, $0x10  }
.Ltmp8:
0x5f: {  	_ = 	snop;
	(pc) =	sbr.rel @!p0 .LBB2_22-.Ltmp8, $1  }
0x60: {  	_ =	sdelay $0x3  }
.LBB2_12:
0x61: {  	s10 =	sshll.u32 s5, $0x6  }
0x62: {  	p0 =	sge.s32 s10, s1  }
.Ltmp9:
0x63: {  	_ = 	snop;
	(pc) =	sbr.rel @p0 .LBB2_14-.Ltmp9, $1  }
0x64: {  	_ =	sdelay $0x3  }
0x65: {  	v8 =	vld [tilespmem:s10+$0x400];
	_ =	sdelay $0x4  }
0x66: {  	v9 =	vshrl.u32 v8, $0x3  }
0x67: {  	v9 =	vmul.u32 $0x50, v9  }
0x68: {  	v8 =	vand.u32 $0x7, v8  }
0x69: {  	v8 =	vor.u32 v8, v9  }
0x6a: {  	v9 =	vperm.xlane v8, v4  }
0x6b: {  	v10 =	vld [tilespmem:$0x1FFF0]  }
0x6c: {  	v9 =	vadd.s32 v5, v9;
	_ =	sdelay $0x3  }
0x6d: {  	s11 =	simm.s32 $0x800;
	vm0 =	vnez.u8 v10  }
0x6e: {  	[tilespmem:s11], [sflag:$0x1] =	stream.indirect_vreg.gather [hbm4b:s3+s2], $0x80, v9, vm0, $0xb8;
	[tilespmem:$0x15800] =	vst v63  }
0x6f: {  	s17 =	simm.s32 $0x1000  }
0x70: {  	[tilespmem:s17], [sflag:$0x1] =	stream.indirect_vreg.gather [hbm4b:s4+s2], $0x80, v9, vm0, $0xb8;
	[tilespmem:$0x15800] =	vst v63  }
0x71: {  	s18 =	simm.s32 $0x1800;
	v8 =	vperm.xlane v8, v6  }
0x72: {  	[tilespmem:s18], [sflag:$0x1] =	stream.indirect_vreg.gather [hbm4b:s6+s2], $0x80, v9, vm0, $0xb8;
	[tilespmem:$0x15800] =	vst v63  }
0x73: {  	s19 =	simm.s32 $0x2000;
	v8 =	vadd.s32 v5, v8  }
0x74: {  	[tilespmem:s19], [sflag:$0x1] =	stream.indirect_vreg.gather [hbm4b:s7+s2], $0x80, v9, vm0, $0xb8;
	[tilespmem:$0x15800] =	vst v63  }
0x75: {  	s20 =	simm.s32 $0x2800  }
0x76: {  	[tilespmem:s20], [sflag:$0x1] =	stream.indirect_vreg.gather [hbm4b:s9+s2], $0x80, v9, vm0, $0xb8;
	[tilespmem:$0x15800] =	vst v63  }
0x77: {  	s21 =	simm.s32 $0x3000  }
0x78: {  	[tilespmem:s21], [sflag:$0x1] =	stream.indirect_vreg.gather [hbm4b:s3+s2], $0x80, v8, vm0, $0xb8;
	[tilespmem:$0x15800] =	vst v63  }
0x79: {  	s22 =	simm.s32 $0x3800  }
0x7a: {  	[tilespmem:s22], [sflag:$0x1] =	stream.indirect_vreg.gather [hbm4b:s4+s2], $0x80, v8, vm0, $0xb8;
	[tilespmem:$0x15800] =	vst v63  }
0x7b: {  	s23 =	simm.s32 $0x4000  }
0x7c: {  	[tilespmem:s23], [sflag:$0x1] =	stream.indirect_vreg.gather [hbm4b:s6+s2], $0x80, v8, vm0, $0xb8;
	[tilespmem:$0x15800] =	vst v63  }
0x7d: {  	s24 =	simm.s32 $0x4800  }
0x7e: {  	[tilespmem:s24], [sflag:$0x1] =	stream.indirect_vreg.gather [hbm4b:s7+s2], $0x80, v8, vm0, $0xb8;
	[tilespmem:$0x15800] =	vst v63  }
0x7f: {  	s25 =	simm.s32 $0x5000  }
0x80: {  	[tilespmem:s25], [sflag:$0x1] =	stream.indirect_vreg.gather [hbm4b:s9+s2], $0x80, v8, vm0, $0xb8;
	[tilespmem:$0x15800] =	vst v63  }
0x81: {  	v8 =	vld [tilespmem:s10+$0x410];
	_ =	sdelay $0x4  }
0x82: {  	v61 =	vshrl.u32 v8, $0x3  }
0x83: {  	v9 =	vmul.u32 $0x50, v61  }
0x84: {  	v8 =	vand.u32 $0x7, v8  }
0x85: {  	v8 =	vor.u32 v8, v9  }
0x86: {  	v9 =	vperm.xlane v8, v4;
	_ =	sdelay $0x1  }
0x87: {  	v9 =	vadd.s32 v5, v9;
	_ =	sdelay $0x3  }
0x88: {  	s12 =	simm.s32 $0x5800  }
0x89: {  	[tilespmem:s12], [sflag:$0x1] =	stream.indirect_vreg.gather [hbm4b:s3+s2], $0x80, v9, vm0, $0xb8;
	[tilespmem:$0x15800] =	vst v63  }
0x8a: {  	s14 =	simm.s32 $0x6000  }
0x8b: {  	[tilespmem:s14], [sflag:$0x1] =	stream.indirect_vreg.gather [hbm4b:s4+s2], $0x80, v9, vm0, $0xb8;
	[tilespmem:$0x15800] =	vst v63  }
0x8c: {  	s15 =	simm.s32 $0x6800;
	v8 =	vperm.xlane v8, v6  }
0x8d: {  	[tilespmem:s15], [sflag:$0x1] =	stream.indirect_vreg.gather [hbm4b:s6+s2], $0x80, v9, vm0, $0xb8;
	[tilespmem:$0x15800] =	vst v63  }
0x8e: {  	s16 =	simm.s32 $0x7000;
	v8 =	vadd.s32 v5, v8  }
0x8f: {  	[tilespmem:s16], [sflag:$0x1] =	stream.indirect_vreg.gather [hbm4b:s7+s2], $0x80, v9, vm0, $0xb8;
	[tilespmem:$0x15800] =	vst v63  }
0x90: {  	s17 =	simm.s32 $0x7800  }
0x91: {  	[tilespmem:s17], [sflag:$0x1] =	stream.indirect_vreg.gather [hbm4b:s9+s2], $0x80, v9, vm0, $0xb8;
	[tilespmem:$0x15800] =	vst v63  }
0x92: {  	s18 =	simm.s32 $0x8000  }
0x93: {  	[tilespmem:s18], [sflag:$0x1] =	stream.indirect_vreg.gather [hbm4b:s3+s2], $0x80, v8, vm0, $0xb8;
	[tilespmem:$0x15800] =	vst v63  }
0x94: {  	s19 =	simm.s32 $0x8800  }
0x95: {  	[tilespmem:s19], [sflag:$0x1] =	stream.indirect_vreg.gather [hbm4b:s4+s2], $0x80, v8, vm0, $0xb8;
	[tilespmem:$0x15800] =	vst v63  }
0x96: {  	s20 =	simm.s32 $0x9000  }
0x97: {  	[tilespmem:s20], [sflag:$0x1] =	stream.indirect_vreg.gather [hbm4b:s6+s2], $0x80, v8, vm0, $0xb8;
	[tilespmem:$0x15800] =	vst v63  }
0x98: {  	s21 =	simm.s32 $0x9800  }
0x99: {  	[tilespmem:s21], [sflag:$0x1] =	stream.indirect_vreg.gather [hbm4b:s7+s2], $0x80, v8, vm0, $0xb8;
	[tilespmem:$0x15800] =	vst v63  }
0x9a: {  	s22 =	simm.s32 $0xA000  }
0x9b: {  	[tilespmem:s22], [sflag:$0x1] =	stream.indirect_vreg.gather [hbm4b:s9+s2], $0x80, v8, vm0, $0xb8;
	[tilespmem:$0x15800] =	vst v63  }
0x9c: {  	v8 =	vld [tilespmem:s10+$0x420];
	_ =	sdelay $0x4  }
0x9d: {  	v62 =	vshrl.u32 v8, $0x3  }
0x9e: {  	v9 =	vmul.u32 $0x50, v62  }
0x9f: {  	v8 =	vand.u32 $0x7, v8  }
0xa0: {  	v8 =	vor.u32 v8, v9  }
0xa1: {  	v9 =	vperm.xlane v8, v4;
	_ =	sdelay $0x1  }
0xa2: {  	v9 =	vadd.s32 v5, v9;
	_ =	sdelay $0x3  }
0xa3: {  	s23 =	simm.s32 $0xA800  }
0xa4: {  	[tilespmem:s23], [sflag:$0x1] =	stream.indirect_vreg.gather [hbm4b:s3+s2], $0x80, v9, vm0, $0xb8;
	[tilespmem:$0x15800] =	vst v63  }
0xa5: {  	s24 =	simm.s32 $0xB000  }
0xa6: {  	[tilespmem:s24], [sflag:$0x1] =	stream.indirect_vreg.gather [hbm4b:s4+s2], $0x80, v9, vm0, $0xb8;
	[tilespmem:$0x15800] =	vst v63  }
0xa7: {  	s25 =	simm.s32 $0xB800;
	v8 =	vperm.xlane v8, v6  }
0xa8: {  	[tilespmem:s25], [sflag:$0x1] =	stream.indirect_vreg.gather [hbm4b:s6+s2], $0x80, v9, vm0, $0xb8;
	[tilespmem:$0x15800] =	vst v63  }
0xa9: {  	s12 =	simm.s32 $0xC000;
	v8 =	vadd.s32 v5, v8  }
0xaa: {  	[tilespmem:s12], [sflag:$0x1] =	stream.indirect_vreg.gather [hbm4b:s7+s2], $0x80, v9, vm0, $0xb8;
	[tilespmem:$0x15800] =	vst v63  }
0xab: {  	s14 =	simm.s32 $0xC800  }
0xac: {  	[tilespmem:s14], [sflag:$0x1] =	stream.indirect_vreg.gather [hbm4b:s9+s2], $0x80, v9, vm0, $0xb8;
	[tilespmem:$0x15800] =	vst v63  }
0xad: {  	s15 =	simm.s32 $0xD000  }
0xae: {  	[tilespmem:s15], [sflag:$0x1] =	stream.indirect_vreg.gather [hbm4b:s3+s2], $0x80, v8, vm0, $0xb8;
	[tilespmem:$0x15800] =	vst v63  }
0xaf: {  	s16 =	simm.s32 $0xD800  }
0xb0: {  	[tilespmem:s16], [sflag:$0x1] =	stream.indirect_vreg.gather [hbm4b:s4+s2], $0x80, v8, vm0, $0xb8;
	[tilespmem:$0x15800] =	vst v63  }
0xb1: {  	s17 =	simm.s32 $0xE000  }
0xb2: {  	[tilespmem:s17], [sflag:$0x1] =	stream.indirect_vreg.gather [hbm4b:s6+s2], $0x80, v8, vm0, $0xb8;
	[tilespmem:$0x15800] =	vst v63  }
0xb3: {  	s18 =	simm.s32 $0xE800  }
0xb4: {  	[tilespmem:s18], [sflag:$0x1] =	stream.indirect_vreg.gather [hbm4b:s7+s2], $0x80, v8, vm0, $0xb8;
	[tilespmem:$0x15800] =	vst v63  }
0xb5: {  	s19 =	simm.s32 $0xF000  }
0xb6: {  	[tilespmem:s19], [sflag:$0x1] =	stream.indirect_vreg.gather [hbm4b:s9+s2], $0x80, v8, vm0, $0xb8;
	[tilespmem:$0x15800] =	vst v63  }
0xb7: {  	v8 =	vld [tilespmem:s10+$0x430];
	_ =	sdelay $0x4  }
0xb8: {  	v63 =	vshrl.u32 v8, $0x3  }
0xb9: {  	v9 =	vmul.u32 $0x50, v63  }
0xba: {  	v8 =	vand.u32 $0x7, v8  }
0xbb: {  	v8 =	vor.u32 v8, v9  }
0xbc: {  	v9 =	vperm.xlane v8, v4;
	_ =	sdelay $0x1  }
0xbd: {  	v9 =	vadd.s32 v5, v9;
	_ =	sdelay $0x3  }
0xbe: {  	s20 =	simm.s32 $0xF800  }
0xbf: {  	[tilespmem:s20], [sflag:$0x1] =	stream.indirect_vreg.gather [hbm4b:s3+s2], $0x80, v9, vm0, $0xb8;
	[tilespmem:$0x15800] =	vst v63  }
0xc0: {  	s21 =	simm.s32 $0x10000  }
0xc1: {  	[tilespmem:s21], [sflag:$0x1] =	stream.indirect_vreg.gather [hbm4b:s4+s2], $0x80, v9, vm0, $0xb8;
	[tilespmem:$0x15800] =	vst v63  }
0xc2: {  	s22 =	simm.s32 $0x10800;
	v8 =	vperm.xlane v8, v6  }
0xc3: {  	[tilespmem:s22], [sflag:$0x1] =	stream.indirect_vreg.gather [hbm4b:s6+s2], $0x80, v9, vm0, $0xb8;
	[tilespmem:$0x15800] =	vst v63  }
0xc4: {  	s23 =	simm.s32 $0x11000;
	v8 =	vadd.s32 v5, v8  }
0xc5: {  	[tilespmem:s23], [sflag:$0x1] =	stream.indirect_vreg.gather [hbm4b:s7+s2], $0x80, v9, vm0, $0xb8;
	[tilespmem:$0x15800] =	vst v63  }
0xc6: {  	s24 =	simm.s32 $0x11800  }
0xc7: {  	[tilespmem:s24], [sflag:$0x1] =	stream.indirect_vreg.gather [hbm4b:s9+s2], $0x80, v9, vm0, $0xb8;
	[tilespmem:$0x15800] =	vst v63  }
0xc8: {  	s25 =	simm.s32 $0x12000  }
0xc9: {  	[tilespmem:s25], [sflag:$0x1] =	stream.indirect_vreg.gather [hbm4b:s3+s2], $0x80, v8, vm0, $0xb8;
	[tilespmem:$0x15800] =	vst v63  }
0xca: {  	_ = 	snop  }
0xcb: {  	[tilespmem:s26], [sflag:$0x1] =	stream.indirect_vreg.gather [hbm4b:s4+s2], $0x80, v8, vm0, $0xb8;
	[tilespmem:$0x15800] =	vst v63  }
0xcc: {  	_ = 	snop  }
0xcd: {  	[tilespmem:s28], [sflag:$0x1] =	stream.indirect_vreg.gather [hbm4b:s6+s2], $0x80, v8, vm0, $0xb8;
	[tilespmem:$0x15800] =	vst v63  }
0xce: {  	_ = 	snop  }
0xcf: {  	[tilespmem:s29], [sflag:$0x1] =	stream.indirect_vreg.gather [hbm4b:s7+s2], $0x80, v8, vm0, $0xb8;
	[tilespmem:$0x15800] =	vst v63  }
0xd0: {  	_ = 	snop  }
0xd1: {  	[tilespmem:s30], [sflag:$0x1] =	stream.indirect_vreg.gather [hbm4b:s9+s2], $0x80, v8, vm0, $0xb8;
	[tilespmem:$0x15800] =	vst v63  }
0xd2: {  	_ =	swait.ge [sflag:s31], $0x14000  }
0xd3: {  	[sflag:s31] =	ssyncset.done $0x0  }
0xd4: {  	[sflag:s31] =	ssyncadd.s32 $0xFFFEC000  }
.LBB2_14:
.Ltmp10:
0xd5: {  	(pc) =	sbr.rel .LBB2_15-.Ltmp10, $2  }
0xd6: {  	_ =	sdelay $0x2  }
0xd7: {  	s11 =	simm.s32 $0x0;
	s12 =	simm.s32 $0x0  }
.LBB2_16:
0xd8: {  	s13 =	smov.u32 @p0 s13  }
.LBB2_20:
0xd9: {  	s12 =	sadd.s32 $0x1, s12  }
0xda: {  	p0 =	sne.s32 s12, $0x40  }
.Ltmp11:
0xdb: {  	_ = 	snop;
	(pc) =	sbr.rel @!p0 .LBB2_21-.Ltmp11, $2  }
0xdc: {  	_ =	sdelay $0x2  }
0xdd: {  	s11 =	sadd.s32 $0x1, s11  }
.LBB2_15:
0xde: {  	s14 =	sor.u32 s10, s12  }
0xdf: {  	p0 =	sge.s32 s14, s1  }
0xe0: {  	p1 =	sgt.s32 @!p0 s13, $0x300  }
0xe1: {  	p1 =	por p0, p1  }
.Ltmp12:
0xe2: {  	_ = 	snop;
	(pc) =	sbr.rel @p1 .LBB2_16-.Ltmp12, $1  }
0xe3: {  	_ =	sdelay $0x3  }
0xe4: {  	s15 =	sshrl.u32 s12, $0x3  }
0xe5: {  	s16 =	sand.u32 $0x7, s11;
	s15 =	smul.u32 $0xA000, s15  }
0xe6: {  	s16 =	sshll.u32 s16, $0x9  }
0xe7: {  	s15 =	sor.u32 s16, s15  }
0xe8: {  	s15 =	sshra.s32 s15, $0x2  }
0xe9: {  	s15 =	sadd.s32 $0x840, s15  }
0xea: {  	v17 =	vld [tilespmem:s15+$0xFFFFFFC0]  }
0xeb: {  	v18 =	vld [tilespmem:s15+$0xFFFFFFD0]  }
0xec: {  	v19 =	vld [tilespmem:s15+$0xFFFFFFE0]  }
0xed: {  	v20 =	vld [tilespmem:s15+$0xFFFFFFF0]  }
0xee: {  	v21 =	vld [tilespmem:s15+$0x0]  }
0xef: {  	v22 =	vld [tilespmem:s15+$0x10];
	vm0 =	vge.f32 v17, v7  }
0xf0: {  	v23 =	vld [tilespmem:s15+$0x20];
	vm6 =	vge.f32 v18, v7;
	v9 =	vmpcnt.ones.xlane vm0  }
0xf1: {  	v8 =	vmov s14;
	v24 =	vld [tilespmem:s15+$0x30];
	vm1 =	vge.f32 v19, v7;
	v10 =	vmpcnt.ones.xlane vm6  }
0xf2: {  	vm2 =	vge.f32 v20, v7;
	v11 =	vmpcnt.ones.xlane vm1;
	(v2sf) =	vpush v9, $0x0  }
0xf3: {  	vm3 =	vge.f32 v21, v7;
	v9 =	vmpcnt.ones.xlane vm2;
	(v2sf) =	vpush v10, $0x0  }
0xf4: {  	vm4 =	vge.f32 v22, v7;
	v10 =	vmpcnt.ones.xlane vm3;
	(v2sf) =	vpush v11, $0x0  }
0xf5: {  	vm11 =	vge.f32 v23, v7;
	v11 =	vmpcnt.ones.xlane vm4;
	(v2sf) =	vpush v9, $0x0  }
0xf6: {  	vm12 =	vge.f32 v24, v7;
	v9 =	vmpcnt.ones.xlane vm11;
	(v2sf) =	vpush v10, $0x0  }
0xf7: {  	v8 =	vld.idx.msk [tilespmem:v8+s0+$0x0], $0xffff;
	s18 =	sadd.s32 $0x400, s15;
	v10 =	vmpcnt.ones.xlane vm12;
	(v2sf) =	vpush v11, $0x0  }
0xf8: {  	v16 =	vld [tilespmem:s18+$0xFFFFFFC0];
	(v2sf) =	vpush v9, $0x0  }
0xf9: {  	v14 =	vld [tilespmem:s18+$0xFFFFFFE0];
	(v2sf) =	vpush v10, $0x0  }
0xfa: {  	v13 =	vld [tilespmem:s18+$0x20]  }
0xfb: {  	v15 =	vld [tilespmem:s18+$0xFFFFFFD0]  }
0xfc: {  	v8 =	vsub.s32 v8, v0  }
0xfd: {  	v8 =	vmul.u32 $0x4B3, v8;
	vm9 =	vmmov vm0;
	v11 =	vld [tilespmem:s18+$0xFFFFFFF0]  }
0xfe: {  	v12 =	vld [tilespmem:s18+$0x0];
	vm5 =	vmmov vm4;
	vm0 =	vge.f32 v16, v7;
	vm6 =	vmmov vm6  }
0xff: {  	vm7 =	vge.f32 v14, v7;
	vm13 =	vge.f32 v13, v7;
	v8 =	vadd.s32 v2, v8;
	v10 =	vld [tilespmem:s18+$0x10]  }
0x100: {  	s14 =	simm.s32 $0x0;
	v25 =	vmpcnt.ones.xlane vm0;
	vm4 =	vmmov vm1;
	vm1 =	vge.f32 v15, v7  }
0x101: {  	[tilespmem:s13+$0x14800] =	vst.msk vm9, v17;
	v17 =	vmpcnt.ones.xlane vm7;
	v27 =	vadd.s32 s14, v8;
	v26 =	vmpcnt.ones.xlane vm1;
	v9 =	vld [tilespmem:s18+$0x30];
	s20 =	spop (v2sf)  }
0x102: {  	vm2 =	vmmov vm2;
	[tilespmem:s13+$0x15000] =	vst.msk vm9, v27;
	(v2sf) =	vpush v25, $0x0;
	vm8 =	vge.f32 v11, v7;
	s13 =	sadd.s32 s13, s20;
	s21 =	spop (v2sf)  }
0x103: {  	vm9 =	vge.f32 v12, v7;
	v63 =	vmpcnt.ones.xlane vm8;
	(v2sf) =	vpush v26, $0x0;
	[tilespmem:s13+$0x14800] =	vst.msk vm6, v18;
	s15 =	sadd.s32 s13, s21;
	s22 =	spop (v2sf)  }
0x104: {  	vm10 =	vge.f32 v10, v7;
	v18 =	vmpcnt.ones.xlane vm9;
	(v2sf) =	vpush v17, $0x0;
	[tilespmem:s15+$0x14800] =	vst.msk vm4, v19;
	s17 =	sadd.s32 s15, s22;
	s23 =	spop (v2sf)  }
0x105: {  	vm3 =	vmmov vm3;
	v17 =	vmpcnt.ones.xlane vm10;
	(v2sf) =	vpush v63, $0x0;
	[tilespmem:s17+$0x14800] =	vst.msk vm2, v20;
	s19 =	sadd.s32 s17, s23;
	s24 =	spop (v2sf)  }
0x106: {  	vm14 =	vge.f32 v9, v7;
	v19 =	vmpcnt.ones.xlane vm13;
	(v2sf) =	vpush v18, $0x0;
	[tilespmem:s19+$0x14800] =	vst.msk vm3, v21;
	s21 =	sadd.s32 s19, s24;
	s20 =	spop (v2sf)  }
0x107: {  	s16 =	simm.s32 $0x8;
	vm11 =	vmmov vm11;
	v18 =	vmpcnt.ones.xlane vm14;
	(v2sf) =	vpush v17, $0x0;
	[tilespmem:s21+$0x14800] =	vst.msk vm5, v22;
	s22 =	sadd.s32 s21, s20;
	s25 =	spop (v2sf)  }
0x108: {  	vm12 =	vmmov vm12;
	(v2sf) =	vpush v19, $0x0;
	s20 =	simm.s32 $0x70;
	[tilespmem:s22+$0x14800] =	vst.msk vm11, v23;
	s23 =	sadd.s32 s22, s25;
	s25 =	spop (v2sf)  }
0x109: {  	vm15 =	vmmov vm0;
	s18 =	sadd.s32 $0x400, s18;
	s24 =	simm.s32 $0x60;
	(v2sf) =	vpush v18, $0x0;
	v17 =	vadd.s32 s20, v8;
	[tilespmem:s23+$0x14800] =	vst.msk vm12, v24;
	s20 =	sadd.s32 s23, s25  }
.LBB2_18:
0x10a: {  	v18 =	vld [tilespmem:s18+$0xFFFFFFC0];
	s16 =	sadd.s32 $0x8, s16;
	s25 =	sadd.s32 $0x50, s14;
	v19 =	vadd.s32 s24, v8;
	[tilespmem:s23+$0x15000] =	vst.msk vm12, v17;
	vm12 =	vmmov vm14  }
0x10b: {  	s23 =	sadd.s32 $0x40, s14;
	v17 =	vld [tilespmem:s18+$0xFFFFFFD0];
	p0 =	slt.u32 s16, $0x48;
	v20 =	vadd.s32 s25, v8;
	[tilespmem:s22+$0x15000] =	vst.msk vm11, v19;
	vm11 =	vmmov vm13  }
0x10c: {  	s22 =	sadd.s32 $0x30, s14;
	v21 =	vadd.s32 s23, v8;
	v19 =	vld [tilespmem:s18+$0xFFFFFFE0];
	[tilespmem:s21+$0x15000] =	vst.msk vm5, v20;
	vm5 =	vmmov vm10  }
0x10d: {  	s21 =	sadd.s32 $0x20, s14;
	v22 =	vadd.s32 s22, v8;
	v20 =	vld [tilespmem:s18+$0xFFFFFFF0];
	[tilespmem:s19+$0x15000] =	vst.msk vm3, v21;
	vm3 =	vmmov vm9  }
0x10e: {  	s19 =	sadd.s32 $0x10, s14;
	v23 =	vadd.s32 s21, v8;
	v21 =	vld [tilespmem:s18+$0x0];
	[tilespmem:s17+$0x15000] =	vst.msk vm2, v22;
	vm2 =	vmmov vm8  }
0x10f: {  	v24 =	vadd.s32 s19, v8;
	vm0 =	vge.f32 v18, v7;
	v22 =	vld [tilespmem:s18+$0x10];
	[tilespmem:s15+$0x15000] =	vst.msk vm4, v23;
	vm4 =	vmmov vm7  }
0x110: {  	s14 =	sadd.s32 $0x80, s14;
	v23 =	vmpcnt.ones.xlane vm0;
	v25 =	vld [tilespmem:s18+$0x20];
	[tilespmem:s13+$0x15000] =	vst.msk vm6, v24;
	vm6 =	vmmov vm1;
	vm1 =	vge.f32 v17, v7  }
0x111: {  	v27 =	vadd.s32 s14, v8;
	v24 =	vmpcnt.ones.xlane vm1;
	vm7 =	vge.f32 v19, v7;
	v26 =	vld [tilespmem:s18+$0x30];
	[tilespmem:s20+$0x14800] =	vst.msk vm15, v16;
	s13 =	spop (v2sf);
	v16 =	vmovc v18  }
0x112: {  	v18 =	vmpcnt.ones.xlane vm7;
	vm8 =	vge.f32 v20, v7;
	(v2sf) =	vpush v23, $0x0;
	[tilespmem:s20+$0x15000] =	vst.msk vm15, v27;
	s13 =	sadd.s32 s20, s13;
	s15 =	spop (v2sf)  }
0x113: {  	v23 =	vmpcnt.ones.xlane vm8;
	vm9 =	vge.f32 v21, v7;
	(v2sf) =	vpush v24, $0x0;
	[tilespmem:s13+$0x14800] =	vst.msk vm6, v15;
	s15 =	sadd.s32 s13, s15;
	s17 =	spop (v2sf);
	v15 =	vmovc v17  }
0x114: {  	v17 =	vmpcnt.ones.xlane vm9;
	vm10 =	vge.f32 v22, v7;
	(v2sf) =	vpush v18, $0x0;
	[tilespmem:s15+$0x14800] =	vst.msk vm4, v14;
	s17 =	sadd.s32 s15, s17;
	s19 =	spop (v2sf);
	v14 =	vmovc v19  }
.Ltmp13:
0x115: {  	v18 =	vmpcnt.ones.xlane vm10;
	vm13 =	vge.f32 v25, v7;
	(v2sf) =	vpush v23, $0x0;
	[tilespmem:s17+$0x14800] =	vst.msk vm2, v11;
	s19 =	sadd.s32 s17, s19;
	s20 =	spop (v2sf);
	v11 =	vmovc v20;
	(pc) =	sbr.rel @p0 .LBB2_18-.Ltmp13, $4  }
0x116: {  	v19 =	vmpcnt.ones.xlane vm13;
	vm14 =	vge.f32 v26, v7;
	(v2sf) =	vpush v17, $0x0;
	[tilespmem:s19+$0x14800] =	vst.msk vm3, v12;
	s21 =	sadd.s32 s19, s20;
	s20 =	spop (v2sf);
	v12 =	vmovc v21  }
0x117: {  	vm15 =	vmmov vm0;
	v17 =	vmpcnt.ones.xlane vm14;
	(v2sf) =	vpush v18, $0x0;
	[tilespmem:s21+$0x14800] =	vst.msk vm5, v10;
	s22 =	sadd.s32 s21, s20;
	s20 =	spop (v2sf);
	v10 =	vmovc v22  }
0x118: {  	(v2sf) =	vpush v19, $0x0;
	[tilespmem:s22+$0x14800] =	vst.msk vm11, v13;
	s23 =	sadd.s32 s22, s20;
	s20 =	sadd.s32 $0x70, s14;
	s25 =	spop (v2sf);
	v13 =	vmov v25  }
0x119: {  	s24 =	sadd.s32 $0x60, s14;
	s18 =	sadd.s32 $0x400, s18;
	(v2sf) =	vpush v17, $0x0;
	v17 =	vadd.s32 s20, v8;
	[tilespmem:s23+$0x14800] =	vst.msk vm12, v9;
	s20 =	sadd.s32 s23, s25;
	v9 =	vmov v26  }
0x11a: {  	[tilespmem:s23+$0x15000] =	vst.msk vm12, v17  }
0x11b: {  	s16 =	sadd.s32 $0x50, s14;
	v18 =	vadd.s32 s24, v8;
	[tilespmem:s20+$0x14800] =	vst.msk vm15, v16  }
0x11c: {  	s18 =	sadd.s32 $0x40, s14;
	v52 =	vadd.s32 s16, v8;
	[tilespmem:s22+$0x15000] =	vst.msk vm11, v18  }
0x11d: {  	s25 =	sadd.s32 $0x10, s14;
	v53 =	vadd.s32 s18, v8;
	[tilespmem:s21+$0x15000] =	vst.msk vm5, v52  }
0x11e: {  	s23 =	sadd.s32 $0x30, s14;
	v56 =	vadd.s32 s25, v8;
	[tilespmem:s19+$0x15000] =	vst.msk vm3, v53  }
0x11f: {  	s24 =	sadd.s32 $0x20, s14;
	v54 =	vadd.s32 s23, v8;
	[tilespmem:s13+$0x15000] =	vst.msk vm6, v56;
	s13 =	sadd.s32 $0x80, s14  }
0x120: {  	v55 =	vadd.s32 s24, v8;
	[tilespmem:s17+$0x15000] =	vst.msk vm2, v54;
	s22 =	sadd.s32 $0x70, s13;
	s23 =	sadd.s32 $0x60, s13  }
0x121: {  	[tilespmem:s15+$0x15000] =	vst.msk vm4, v55;
	v57 =	vadd.s32 s13, v8;
	s24 =	sadd.s32 $0x50, s13;
	s25 =	sadd.s32 $0x40, s13;
	s15 =	spop (v2sf)  }
0x122: {  	vm0 =	vmmov vm1;
	vm1 =	vmmov vm7;
	[tilespmem:s20+$0x15000] =	vst.msk vm15, v57;
	v59 =	vadd.s32 s23, v8;
	s23 =	sadd.s32 $0x30, s13;
	s14 =	sadd.s32 s20, s15;
	s16 =	spop (v2sf)  }
0x123: {  	v58 =	vadd.s32 s22, v8;
	v60 =	vadd.s32 s24, v8;
	v61 =	vadd.s32 s25, v8;
	s24 =	sadd.s32 $0x20, s13;
	s13 =	sadd.s32 $0x10, s13;
	[tilespmem:s14+$0x14800] =	vst.msk vm0, v15;
	s15 =	sadd.s32 s14, s16  }
0x124: {  	v62 =	vadd.s32 s23, v8;
	v63 =	vadd.s32 s24, v8;
	v8 =	vadd.s32 s13, v8;
	s17 =	spop (v2sf);
	[tilespmem:s15+$0x14800] =	vst.msk vm1, v14  }
0x125: {  	vm2 =	vmmov vm8;
	s16 =	sadd.s32 s15, s17;
	[tilespmem:s14+$0x15000] =	vst.msk vm0, v8  }
0x126: {  	s18 =	spop (v2sf);
	[tilespmem:s16+$0x14800] =	vst.msk vm2, v11  }
0x127: {  	vm11 =	vmmov vm9;
	s17 =	sadd.s32 s16, s18;
	[tilespmem:s15+$0x15000] =	vst.msk vm1, v63  }
0x128: {  	s19 =	spop (v2sf);
	[tilespmem:s17+$0x14800] =	vst.msk vm11, v12  }
0x129: {  	vm12 =	vmmov vm10;
	s18 =	sadd.s32 s17, s19;
	[tilespmem:s16+$0x15000] =	vst.msk vm2, v62  }
0x12a: {  	s20 =	spop (v2sf);
	[tilespmem:s18+$0x14800] =	vst.msk vm12, v10  }
0x12b: {  	vm13 =	vmmov vm13;
	s19 =	sadd.s32 s18, s20;
	[tilespmem:s17+$0x15000] =	vst.msk vm11, v61  }
.Ltmp14:
0x12c: {  	s21 =	spop (v2sf);
	[tilespmem:s19+$0x14800] =	vst.msk vm13, v13;
	(pc) =	sbr.rel .LBB2_20-.Ltmp14, $4  }
0x12d: {  	vm15 =	vmmov vm14;
	s20 =	sadd.s32 s19, s21;
	[tilespmem:s18+$0x15000] =	vst.msk vm12, v60  }
0x12e: {  	[tilespmem:s20+$0x14800] =	vst.msk vm15, v9  }
0x12f: {  	s25 =	spop (v2sf);
	[tilespmem:s19+$0x15000] =	vst.msk vm13, v59  }
0x130: {  	s13 =	sadd.s32 s20, s25;
	[tilespmem:s20+$0x15000] =	vst.msk vm15, v58  }
.LBB2_23:
0x131: {  	_ =	sfence.sel $0x180000  }
0x132: {  	[bflag:$0x0] =	sbarrier.arrive $0xFFFF  }
0x133: {  	_ =	strace $0x90000047  }
0x134: {  	s0 =	stileid.u32;
	[bflag:$0x2] =	sbarrier.arrive $0xFFFF  }
0x135: {  	p0 =	sne.s32 s0, $0x0;
	s0 =	rddreg [dreg:$0x2]  }
0x136: {  	s0 =	sadd.s32 @!p0 $0x100000, s0  }
0x137: {  	[sflag:s0] =	ssyncadd.tile.s32 @!p0 $0x1;
	_ =	shalt  }
.Lfunc_end2:
_tile_overlayer_lowered:
.L_overlay_start_2:
0x138: {  	(tag) =	ssettag $0x2  }
0x139: {  	s0 =	rddreg [dreg:$0x0];
	s2 =	stileid.u32  }
0x13a: {  	s1 =	rddreg [dreg:$0x1];
	p0 =	sne.s32 s2, $0x0  }
0x13b: {  	s3 =	rddreg [dreg:$0x2];
	[bflag:$0x3] =	sbarrier.arrive $0xFFFF;
	s2 =	simm.s32 @!p0 $0x1C02  }
0x13c: {  	[timem:s3], [sflag:s2] =	dma.local @!p0 [hbm:s0], s1  }
0x13d: {  	s0 =	simm.s32 @!p0 $0x2  }
0x13e: {  	_ =	swait.ge @!p0 [sflag:s0], s1  }
0x13f: {  	s1 =	ssub.s32 @!p0 $0x0, s1;
	[sflag:s0] =	ssyncset.done @!p0 $0x0  }
0x140: {  	[sflag:s0] =	ssyncadd.s32 @!p0 s1  }
0x141: {  	[bflag:$0x3] =	sbarrier.arrive $0xFFFF  }
0x142: {  	_ =	shalt  }

</sc_bundles>
